<compile_context>
chip_gen: v7x
topology: tpu7x:2x2x1
jax: 0.10.2.dev20260603
libtpu: 0.0.44.dev20260713+nightly
codegen_flags: <defaults>
</compile_context>

<pallas_src>
import functools

import jax
import jax.numpy as jnp
from jax import lax
from jax.experimental import pallas as pl
from jax.experimental.pallas import tpu as pltpu
from jax.experimental.pallas import tpu_sc as plsc

NC = 2
NS = 16
CHUNK = 32
NBUF = 6


def _sc_segment_sum(x, src2, src_tail, dst_main, dst_tail, z):
    n, d = x.shape
    ew = src2.shape[1]
    halves = dst_main.shape[1]
    full = dst_main.shape[2]
    eh = full * CHUNK
    tail = ew - halves * eh
    rps = (n // NS) & ~7
    rem = n - NS * rps

    mesh = plsc.VectorSubcoreMesh(core_axis_name="c", subcore_axis_name="s")

    @functools.partial(
        pl.kernel,
        out_type=jax.ShapeDtypeStruct((NC, n, d), jnp.float32),
        mesh=mesh,
        scratch_types=[
            pltpu.VMEM((eh,), jnp.int32),
            pltpu.VMEM((full, CHUNK), jnp.int32),
            pltpu.VMEM((tail,) if tail else (8,), jnp.int32),
            pltpu.VMEM((tail,) if tail else (8,), jnp.int32),
            [pltpu.VMEM((CHUNK, d), jnp.float32) for _ in range(NBUF)],
            pltpu.VMEM_SHARED((n, d), jnp.float32),
            [pltpu.SemaphoreType.DMA for _ in range(NBUF)],
            [pltpu.SemaphoreType.DMA for _ in range(NBUF)],
        ],
    )
    def sc_kernel(x_hbm, src_hbm, srct_hbm, dstm_hbm, dstt_hbm, z_hbm,
                  out_hbm,
                  src_v, dst_v, src_t, dst_t, bufs, g_sh, gsems, ssems):
        cid = lax.axis_index("c")
        sid = lax.axis_index("s")
        wid = cid * NS + sid
        if tail:
            pltpu.sync_copy(srct_hbm.at[wid], src_t)
            pltpu.sync_copy(dstt_hbm.at[wid], dst_t)
        pltpu.sync_copy(z_hbm.at[pl.ds(0, rps)], g_sh.at[pl.ds(sid * rps, rps)])

        @pl.when(sid == 0)
        def _zero_rem():
            pltpu.sync_copy(z_hbm.at[pl.ds(0, rem)], g_sh.at[pl.ds(NS * rps, rem)])

        plsc.subcore_barrier()

        def gather(j, k):
            pltpu.async_copy(
                x_hbm.at[src_v.at[pl.ds(j * CHUNK, CHUNK)]], bufs[k], gsems[k])

        def gwait(j, k):
            pltpu.make_async_copy(
                x_hbm.at[src_v.at[pl.ds(j * CHUNK, CHUNK)]],
                bufs[k], gsems[k]).wait()

        def scat(j, k):
            pltpu.async_copy(bufs[k], g_sh.at[dst_v.at[j]], ssems[k], add=True)

        def swait(j, k):
            pltpu.make_async_copy(bufs[k], g_sh.at[dst_v.at[j]], ssems[k]).wait()

        groups = full // NBUF
        assert full % NBUF == 0

        for h in range(halves):
            pltpu.sync_copy(src_hbm.at[wid, pl.ds(h * eh, eh)], src_v)
            pltpu.sync_copy(dstm_hbm.at[wid, h], dst_v)
            for k in range(NBUF):
                gather(k, k)

            def body(jj, carry):
                j0 = NBUF * jj
                for k in range(NBUF):
                    gwait(j0 + k, k)
                    scat(j0 + k, k)
                for k in range(NBUF):
                    swait(j0 + k, k)

                    @pl.when(j0 + NBUF + k < full)
                    def _next():
                        gather(j0 + NBUF + k, k)

                return carry

            lax.fori_loop(0, groups, body, 0)
        if tail:
            pltpu.sync_copy(
                x_hbm.at[src_t], bufs[0].at[pl.ds(0, tail)])
            pltpu.sync_copy(
                bufs[0].at[pl.ds(0, tail)], g_sh.at[dst_t], add=True)
        plsc.subcore_barrier()
        pltpu.sync_copy(
            g_sh.at[pl.ds(sid * rps, rps)],
            out_hbm.at[cid, pl.ds(sid * rps, rps)])

        @pl.when(sid == 0)
        def _write_rem():
            pltpu.sync_copy(
                g_sh.at[pl.ds(NS * rps, rem)],
                out_hbm.at[cid, pl.ds(NS * rps, rem)])

    return sc_kernel(x, src2, src_tail, dst_main, dst_tail, z)


def _tc_aff(x, w_aff, b2):
    n, d = x.shape
    rows = 2000
    grid = n // rows

    def body(xb, wa, b, out):
        out[...] = (
            jnp.dot(xb[...], wa[...], preferred_element_type=jnp.float32)
            + b[...]
        )

    return pl.pallas_call(
        body,
        grid=(grid,),
        in_specs=[
            pl.BlockSpec((rows, d), lambda i: (i, 0)),
            pl.BlockSpec((d, d), lambda i: (0, 0)),
            pl.BlockSpec((1, d), lambda i: (0, 0)),
        ],
        out_specs=pl.BlockSpec((rows, d), lambda i: (i, 0)),
        out_shape=jax.ShapeDtypeStruct((n, d), jnp.float32),
    )(x, w_aff, b2)


def _tc_combine(gp, aff, w_gnn):
    n, d = aff.shape
    rows = 2000
    grid = n // rows

    def body(g0, g1, wg, a, out):
        h = g0[0] + g1[0]
        out[...] = (
            jnp.dot(h, wg[...], preferred_element_type=jnp.float32) + a[...]
        )

    return pl.pallas_call(
        body,
        grid=(grid,),
        in_specs=[
            pl.BlockSpec((1, rows, d), lambda i: (0, i, 0)),
            pl.BlockSpec((1, rows, d), lambda i: (1, i, 0)),
            pl.BlockSpec((d, d), lambda i: (0, 0)),
            pl.BlockSpec((rows, d), lambda i: (i, 0)),
        ],
        out_specs=pl.BlockSpec((rows, d), lambda i: (i, 0)),
        out_shape=jax.ShapeDtypeStruct((n, d), jnp.float32),
    )(gp, gp, w_gnn, aff)


def kernel(x, es, W_gnn, b_gnn, W_aff, b_aff):
    n, d = x.shape
    e = es.shape[1]
    nw = NC * NS
    ew = e // nw
    halves = 2
    full = (ew // halves) // CHUNK
    full -= full % NBUF
    eh = full * CHUNK
    tail = ew - halves * eh
    src2 = es[0].reshape(nw, ew)
    dst2 = es[1].reshape(nw, ew)
    dst_main = dst2[:, :halves * eh].reshape(nw, halves, full, CHUNK)
    src_tail = src2[:, halves * eh:]
    dst_tail = dst2[:, halves * eh:]
    z = jnp.zeros((n // NS, d), jnp.float32)
    b2 = (b_gnn + b_aff).reshape(1, d)
    aff = _tc_aff(x, W_aff, b2)
    gp = _sc_segment_sum(x, src2, src_tail, dst_main, dst_tail, z)
    return _tc_combine(gp, aff, W_gnn)

# --- scband reference (transcript-rebuilt; emitter-appended) ---
"""Pipeline reference for scband-skip-affine-91087666413911 (READ-ONLY COPY).

The authoritative reference and input builder live on the scoring server;
editing this copy changes nothing except your own understanding.
"""

import jax, jax.numpy as jnp
import numpy as np

N = 10000
E = 320000
D = 128

def setup_inputs(seed: int = 0) -> dict:
    key = jax.random.key(seed)
    k1, k2, k3, k4, k5, k6 = jax.random.split(key, 6)
    x = jax.random.normal(k1, (N, D), dtype=jnp.float32)
    es = jax.random.randint(k2, (2, E), 0, N, dtype=jnp.int32)
    s = 1.0 / np.sqrt(D)
    W_gnn = jax.random.uniform(k3, (D, D), dtype=jnp.float32, minval=-s, maxval=s)
    b_gnn = jax.random.uniform(k4, (D,), dtype=jnp.float32, minval=-s, maxval=s)
    W_aff = jax.random.uniform(k5, (D, D), dtype=jnp.float32, minval=-s, maxval=s)
    b_aff = jax.random.uniform(k6, (D,), dtype=jnp.float32, minval=-s, maxval=s)
    return {"x": x, "es": es, "W_gnn": W_gnn, "b_gnn": b_gnn, "W_aff": W_aff, "b_aff": b_aff}

def reference(x, es, W_gnn, b_gnn, W_aff, b_aff):
    # gnn: GraphConv-style message passing: transform neighbor features, scatter-add to dst
    src = es[0]
    dst = es[1]
    msg = jnp.take(x, src, axis=0) @ W_gnn            # gather + dense transform
    hidden = jax.ops.segment_sum(msg, dst, num_segments=N) + b_gnn  # scatter-add aggregation
    # skip affine branch: aff = Linear(n_in, n_out)(x)
    aff = x @ W_aff + b_aff
    return hidden + aff

if __name__ == "__main__":
    import jax
    _d = setup_inputs()
    print(jax.jit(kernel)(*tuple(_d.values())))

</pallas_src>

<mosaic_0001>
#map = affine_map<(d0, d1) -> (0, 0)>
#map1 = affine_map<(d0, d1) -> (0, 0, 0, 0)>
#map2 = affine_map<(d0, d1) -> (0, 0, 0)>
module attributes {stable_mosaic.version = 14 : i64} {
  func.func @sc_kernel(%arg0: i32, %arg1: i32, %arg2: memref<10000x128xf32, #tpu.memory_space<hbm>>, %arg3: memref<32x10000xi32, #tpu.memory_space<hbm>>, %arg4: memref<32x16xi32, #tpu.memory_space<hbm>>, %arg5: memref<32x2x156x32xi32, #tpu.memory_space<hbm>>, %arg6: memref<32x16xi32, #tpu.memory_space<hbm>>, %arg7: memref<625x128xf32, #tpu.memory_space<hbm>>, %arg8: memref<2x10000x128xf32, #tpu.memory_space<hbm>>, %arg9: memref<4992xi32, #tpu.memory_space<vmem>>, %arg10: memref<156x32xi32, #tpu.memory_space<vmem>>, %arg11: memref<16xi32, #tpu.memory_space<vmem>>, %arg12: memref<16xi32, #tpu.memory_space<vmem>>, %arg13: memref<32x128xf32, #tpu.memory_space<vmem>>, %arg14: memref<32x128xf32, #tpu.memory_space<vmem>>, %arg15: memref<32x128xf32, #tpu.memory_space<vmem>>, %arg16: memref<32x128xf32, #tpu.memory_space<vmem>>, %arg17: memref<32x128xf32, #tpu.memory_space<vmem>>, %arg18: memref<32x128xf32, #tpu.memory_space<vmem>>, %arg19: memref<10000x128xf32, #tpu.memory_space<vmem_shared>>, %arg20: memref<!tpu.dma_semaphore, #tpu.memory_space<semaphore_mem>>, %arg21: memref<!tpu.dma_semaphore, #tpu.memory_space<semaphore_mem>>, %arg22: memref<!tpu.dma_semaphore, #tpu.memory_space<semaphore_mem>>, %arg23: memref<!tpu.dma_semaphore, #tpu.memory_space<semaphore_mem>>, %arg24: memref<!tpu.dma_semaphore, #tpu.memory_space<semaphore_mem>>, %arg25: memref<!tpu.dma_semaphore, #tpu.memory_space<semaphore_mem>>, %arg26: memref<!tpu.dma_semaphore, #tpu.memory_space<semaphore_mem>>, %arg27: memref<!tpu.dma_semaphore, #tpu.memory_space<semaphore_mem>>, %arg28: memref<!tpu.dma_semaphore, #tpu.memory_space<semaphore_mem>>, %arg29: memref<!tpu.dma_semaphore, #tpu.memory_space<semaphore_mem>>, %arg30: memref<!tpu.dma_semaphore, #tpu.memory_space<semaphore_mem>>, %arg31: memref<!tpu.dma_semaphore, #tpu.memory_space<semaphore_mem>>) attributes {dimension_semantics = [#tpu.dimension_semantics<core_parallel>, #tpu.dimension_semantics<subcore_parallel>], iteration_bounds = array<i64: 2, 16>, scalar_prefetch = 0 : i64, scratch_operands = 23 : i64, tpu.core_type = #tpu.core_type<sc_vector_subcore>, window_params = [{transform_indices = #map}, {transform_indices = #map}, {transform_indices = #map}, {transform_indices = #map1}, {transform_indices = #map}, {transform_indices = #map}, {transform_indices = #map2}]} {
    %mul3A = arith.constant 16 : i32
    %mul3A_0 = arith.muli %arg0, %mul3A : i32
    %add3A = arith.addi %mul3A_0, %arg1 : i32
    "tpu.region"() ({
      %run_scoped3A_86 = tpu.sem_alloc : memref<!tpu.dma_semaphore, #tpu.memory_space<semaphore_mem>>
      %dma_start3A_87 = arith.constant 0 : i32
      %dma_start3A_88 = tpu.memref_slice %arg4[%add3A, %dma_start3A_87] : memref<32x16xi32, #tpu.memory_space<hbm>> -> memref<1x16xi32, #tpu.memory_space<hbm>>
      %dma_start3A_89 = tpu.memref_squeeze %dma_start3A_88 : memref<1x16xi32, #tpu.memory_space<hbm>> -> memref<16xi32, #tpu.memory_space<hbm>>
      %dma_start3A_90 = arith.constant 0 : i32
      %dma_start3A_91 = tpu.memref_slice %arg4[%add3A, %dma_start3A_90] : memref<32x16xi32, #tpu.memory_space<hbm>> -> memref<1x16xi32, #tpu.memory_space<hbm>>
      %dma_start3A_92 = tpu.memref_squeeze %dma_start3A_91 : memref<1x16xi32, #tpu.memory_space<hbm>> -> memref<16xi32, #tpu.memory_space<hbm>>
      tpu.enqueue_dma source(%dma_start3A_92 : memref<16xi32, #tpu.memory_space<hbm>>) target(%arg11 : memref<16xi32, #tpu.memory_space<vmem>>) target_semaphore(%run_scoped3A_86 : memref<!tpu.dma_semaphore, #tpu.memory_space<semaphore_mem>>)
      %dma_wait3A = arith.constant 0 : i32
      %dma_wait3A_93 = tpu.memref_slice %arg4[%add3A, %dma_wait3A] : memref<32x16xi32, #tpu.memory_space<hbm>> -> memref<1x16xi32, #tpu.memory_space<hbm>>
      %dma_wait3A_94 = tpu.memref_squeeze %dma_wait3A_93 : memref<1x16xi32, #tpu.memory_space<hbm>> -> memref<16xi32, #tpu.memory_space<hbm>>
      %dma_wait3A_95 = arith.constant 0 : i32
      %dma_wait3A_96 = tpu.memref_slice %arg4[%add3A, %dma_wait3A_95] : memref<32x16xi32, #tpu.memory_space<hbm>> -> memref<1x16xi32, #tpu.memory_space<hbm>>
      %dma_wait3A_97 = tpu.memref_squeeze %dma_wait3A_96 : memref<1x16xi32, #tpu.memory_space<hbm>> -> memref<16xi32, #tpu.memory_space<hbm>>
      tpu.wait_dma2 semaphore(%run_scoped3A_86 : memref<!tpu.dma_semaphore, #tpu.memory_space<semaphore_mem>>) src(%dma_wait3A_97 : memref<16xi32, #tpu.memory_space<hbm>>) dst(%arg11 : memref<16xi32, #tpu.memory_space<vmem>>)
      tpu.yield
    }) : () -> ()
    "tpu.region"() ({
      %run_scoped3A_86 = tpu.sem_alloc : memref<!tpu.dma_semaphore, #tpu.memory_space<semaphore_mem>>
      %dma_start3A_87 = arith.constant 0 : i32
      %dma_start3A_88 = tpu.memref_slice %arg6[%add3A, %dma_start3A_87] : memref<32x16xi32, #tpu.memory_space<hbm>> -> memref<1x16xi32, #tpu.memory_space<hbm>>
      %dma_start3A_89 = tpu.memref_squeeze %dma_start3A_88 : memref<1x16xi32, #tpu.memory_space<hbm>> -> memref<16xi32, #tpu.memory_space<hbm>>
      %dma_start3A_90 = arith.constant 0 : i32
      %dma_start3A_91 = tpu.memref_slice %arg6[%add3A, %dma_start3A_90] : memref<32x16xi32, #tpu.memory_space<hbm>> -> memref<1x16xi32, #tpu.memory_space<hbm>>
      %dma_start3A_92 = tpu.memref_squeeze %dma_start3A_91 : memref<1x16xi32, #tpu.memory_space<hbm>> -> memref<16xi32, #tpu.memory_space<hbm>>
      tpu.enqueue_dma source(%dma_start3A_92 : memref<16xi32, #tpu.memory_space<hbm>>) target(%arg12 : memref<16xi32, #tpu.memory_space<vmem>>) target_semaphore(%run_scoped3A_86 : memref<!tpu.dma_semaphore, #tpu.memory_space<semaphore_mem>>)
      %dma_wait3A = arith.constant 0 : i32
      %dma_wait3A_93 = tpu.memref_slice %arg6[%add3A, %dma_wait3A] : memref<32x16xi32, #tpu.memory_space<hbm>> -> memref<1x16xi32, #tpu.memory_space<hbm>>
      %dma_wait3A_94 = tpu.memref_squeeze %dma_wait3A_93 : memref<1x16xi32, #tpu.memory_space<hbm>> -> memref<16xi32, #tpu.memory_space<hbm>>
      %dma_wait3A_95 = arith.constant 0 : i32
      %dma_wait3A_96 = tpu.memref_slice %arg6[%add3A, %dma_wait3A_95] : memref<32x16xi32, #tpu.memory_space<hbm>> -> memref<1x16xi32, #tpu.memory_space<hbm>>
      %dma_wait3A_97 = tpu.memref_squeeze %dma_wait3A_96 : memref<1x16xi32, #tpu.memory_space<hbm>> -> memref<16xi32, #tpu.memory_space<hbm>>
      tpu.wait_dma2 semaphore(%run_scoped3A_86 : memref<!tpu.dma_semaphore, #tpu.memory_space<semaphore_mem>>) src(%dma_wait3A_97 : memref<16xi32, #tpu.memory_space<hbm>>) dst(%arg12 : memref<16xi32, #tpu.memory_space<vmem>>)
      tpu.yield
    }) : () -> ()
    %mul3A_1 = arith.constant 624 : i32
    %mul3A_2 = arith.muli %arg1, %mul3A_1 : i32
    "tpu.region"() ({
      %run_scoped3A_86 = tpu.sem_alloc : memref<!tpu.dma_semaphore, #tpu.memory_space<semaphore_mem>>
      %dma_start3A_87 = arith.constant 0 : i32
      %dma_start3A_88 = tpu.memref_slice %arg19[%mul3A_2, %dma_start3A_87] : memref<10000x128xf32, #tpu.memory_space<vmem_shared>> -> memref<624x128xf32, #tpu.memory_space<vmem_shared>>
      %dma_start3A_89 = arith.constant 0 : i32
      %dma_start3A_90 = arith.constant 0 : i32
      %dma_start3A_91 = tpu.memref_slice %arg7[%dma_start3A_89, %dma_start3A_90] : memref<625x128xf32, #tpu.memory_space<hbm>> -> memref<624x128xf32, #tpu.memory_space<hbm>>
      tpu.enqueue_dma source(%dma_start3A_91 : memref<624x128xf32, #tpu.memory_space<hbm>>) target(%dma_start3A_88 : memref<624x128xf32, #tpu.memory_space<vmem_shared>>) target_semaphore(%run_scoped3A_86 : memref<!tpu.dma_semaphore, #tpu.memory_space<semaphore_mem>>)
      %dma_wait3A = arith.constant 0 : i32
      %dma_wait3A_92 = tpu.memref_slice %arg19[%mul3A_2, %dma_wait3A] : memref<10000x128xf32, #tpu.memory_space<vmem_shared>> -> memref<624x128xf32, #tpu.memory_space<vmem_shared>>
      %dma_wait3A_93 = arith.constant 0 : i32
      %dma_wait3A_94 = arith.constant 0 : i32
      %dma_wait3A_95 = tpu.memref_slice %arg7[%dma_wait3A_93, %dma_wait3A_94] : memref<625x128xf32, #tpu.memory_space<hbm>> -> memref<624x128xf32, #tpu.memory_space<hbm>>
      tpu.wait_dma2 semaphore(%run_scoped3A_86 : memref<!tpu.dma_semaphore, #tpu.memory_space<semaphore_mem>>) src(%dma_wait3A_95 : memref<624x128xf32, #tpu.memory_space<hbm>>) dst(%dma_wait3A_92 : memref<624x128xf32, #tpu.memory_space<vmem_shared>>)
      tpu.yield
    }) : () -> ()
    %eq3A = arith.constant 0 : i32
    %eq3A_3 = arith.cmpi eq, %arg1, %eq3A : i32
    %convert_element_type3A = arith.extui %eq3A_3 : i1 to i32
    %cond3A = arith.constant 0 : i32
    %cond3A_4 = arith.cmpi ne, %convert_element_type3A, %cond3A : i32
    scf.if %cond3A_4 {
      "tpu.region"() ({
        %run_scoped3A_86 = tpu.sem_alloc : memref<!tpu.dma_semaphore, #tpu.memory_space<semaphore_mem>>
        %dma_start3A_87 = arith.constant 9984 : i32
        %dma_start3A_88 = arith.constant 0 : i32
        %dma_start3A_89 = tpu.memref_slice %arg19[%dma_start3A_87, %dma_start3A_88] : memref<10000x128xf32, #tpu.memory_space<vmem_shared>> -> memref<16x128xf32, #tpu.memory_space<vmem_shared>>
        %dma_start3A_90 = arith.constant 0 : i32
        %dma_start3A_91 = arith.constant 0 : i32
        %dma_start3A_92 = tpu.memref_slice %arg7[%dma_start3A_90, %dma_start3A_91] : memref<625x128xf32, #tpu.memory_space<hbm>> -> memref<16x128xf32, #tpu.memory_space<hbm>>
        tpu.enqueue_dma source(%dma_start3A_92 : memref<16x128xf32, #tpu.memory_space<hbm>>) target(%dma_start3A_89 : memref<16x128xf32, #tpu.memory_space<vmem_shared>>) target_semaphore(%run_scoped3A_86 : memref<!tpu.dma_semaphore, #tpu.memory_space<semaphore_mem>>)
        %dma_wait3A = arith.constant 9984 : i32
        %dma_wait3A_93 = arith.constant 0 : i32
        %dma_wait3A_94 = tpu.memref_slice %arg19[%dma_wait3A, %dma_wait3A_93] : memref<10000x128xf32, #tpu.memory_space<vmem_shared>> -> memref<16x128xf32, #tpu.memory_space<vmem_shared>>
        %dma_wait3A_95 = arith.constant 0 : i32
        %dma_wait3A_96 = arith.constant 0 : i32
        %dma_wait3A_97 = tpu.memref_slice %arg7[%dma_wait3A_95, %dma_wait3A_96] : memref<625x128xf32, #tpu.memory_space<hbm>> -> memref<16x128xf32, #tpu.memory_space<hbm>>
        tpu.wait_dma2 semaphore(%run_scoped3A_86 : memref<!tpu.dma_semaphore, #tpu.memory_space<semaphore_mem>>) src(%dma_wait3A_97 : memref<16x128xf32, #tpu.memory_space<hbm>>) dst(%dma_wait3A_94 : memref<16x128xf32, #tpu.memory_space<vmem_shared>>)
        tpu.yield
      }) : () -> ()
    } else {
    }
    %barrier3A = arith.constant 0 : index
    tpu.barrier barrier_id(%barrier3A)
    "tpu.region"() ({
      %run_scoped3A_86 = tpu.sem_alloc : memref<!tpu.dma_semaphore, #tpu.memory_space<semaphore_mem>>
      %dma_start3A_87 = arith.constant 0 : i32
      %dma_start3A_88 = tpu.memref_slice %arg3[%add3A, %dma_start3A_87] : memref<32x10000xi32, #tpu.memory_space<hbm>> -> memref<1x4992xi32, #tpu.memory_space<hbm>>
      %dma_start3A_89 = tpu.memref_squeeze %dma_start3A_88 : memref<1x4992xi32, #tpu.memory_space<hbm>> -> memref<4992xi32, #tpu.memory_space<hbm>>
      %dma_start3A_90 = arith.constant 0 : i32
      %dma_start3A_91 = tpu.memref_slice %arg3[%add3A, %dma_start3A_90] : memref<32x10000xi32, #tpu.memory_space<hbm>> -> memref<1x4992xi32, #tpu.memory_space<hbm>>
      %dma_start3A_92 = tpu.memref_squeeze %dma_start3A_91 : memref<1x4992xi32, #tpu.memory_space<hbm>> -> memref<4992xi32, #tpu.memory_space<hbm>>
      tpu.enqueue_dma source(%dma_start3A_92 : memref<4992xi32, #tpu.memory_space<hbm>>) target(%arg9 : memref<4992xi32, #tpu.memory_space<vmem>>) target_semaphore(%run_scoped3A_86 : memref<!tpu.dma_semaphore, #tpu.memory_space<semaphore_mem>>)
      %dma_wait3A = arith.constant 0 : i32
      %dma_wait3A_93 = tpu.memref_slice %arg3[%add3A, %dma_wait3A] : memref<32x10000xi32, #tpu.memory_space<hbm>> -> memref<1x4992xi32, #tpu.memory_space<hbm>>
      %dma_wait3A_94 = tpu.memref_squeeze %dma_wait3A_93 : memref<1x4992xi32, #tpu.memory_space<hbm>> -> memref<4992xi32, #tpu.memory_space<hbm>>
      %dma_wait3A_95 = arith.constant 0 : i32
      %dma_wait3A_96 = tpu.memref_slice %arg3[%add3A, %dma_wait3A_95] : memref<32x10000xi32, #tpu.memory_space<hbm>> -> memref<1x4992xi32, #tpu.memory_space<hbm>>
      %dma_wait3A_97 = tpu.memref_squeeze %dma_wait3A_96 : memref<1x4992xi32, #tpu.memory_space<hbm>> -> memref<4992xi32, #tpu.memory_space<hbm>>
      tpu.wait_dma2 semaphore(%run_scoped3A_86 : memref<!tpu.dma_semaphore, #tpu.memory_space<semaphore_mem>>) src(%dma_wait3A_97 : memref<4992xi32, #tpu.memory_space<hbm>>) dst(%arg9 : memref<4992xi32, #tpu.memory_space<vmem>>)
      tpu.yield
    }) : () -> ()
    %run_scoped3A = arith.constant 0 : i32
    "tpu.region"() ({
      %run_scoped3A_86 = tpu.sem_alloc : memref<!tpu.dma_semaphore, #tpu.memory_space<semaphore_mem>>
      %dma_start3A_87 = arith.constant 0 : i32
      %dma_start3A_88 = arith.constant 0 : i32
      %dma_start3A_89 = tpu.memref_slice %arg5[%add3A, %run_scoped3A, %dma_start3A_87, %dma_start3A_88] : memref<32x2x156x32xi32, #tpu.memory_space<hbm>> -> memref<1x1x156x32xi32, #tpu.memory_space<hbm>>
      %dma_start3A_90 = tpu.memref_squeeze %dma_start3A_89 : memref<1x1x156x32xi32, #tpu.memory_space<hbm>> -> memref<156x32xi32, #tpu.memory_space<hbm>>
      %dma_start3A_91 = arith.constant 0 : i32
      %dma_start3A_92 = arith.constant 0 : i32
      %dma_start3A_93 = tpu.memref_slice %arg5[%add3A, %run_scoped3A, %dma_start3A_91, %dma_start3A_92] : memref<32x2x156x32xi32, #tpu.memory_space<hbm>> -> memref<1x1x156x32xi32, #tpu.memory_space<hbm>>
      %dma_start3A_94 = tpu.memref_squeeze %dma_start3A_93 : memref<1x1x156x32xi32, #tpu.memory_space<hbm>> -> memref<156x32xi32, #tpu.memory_space<hbm>>
      tpu.enqueue_dma source(%dma_start3A_94 : memref<156x32xi32, #tpu.memory_space<hbm>>) target(%arg10 : memref<156x32xi32, #tpu.memory_space<vmem>>) target_semaphore(%run_scoped3A_86 : memref<!tpu.dma_semaphore, #tpu.memory_space<semaphore_mem>>)
      %dma_wait3A = arith.constant 0 : i32
      %dma_wait3A_95 = arith.constant 0 : i32
      %dma_wait3A_96 = tpu.memref_slice %arg5[%add3A, %run_scoped3A, %dma_wait3A, %dma_wait3A_95] : memref<32x2x156x32xi32, #tpu.memory_space<hbm>> -> memref<1x1x156x32xi32, #tpu.memory_space<hbm>>
      %dma_wait3A_97 = tpu.memref_squeeze %dma_wait3A_96 : memref<1x1x156x32xi32, #tpu.memory_space<hbm>> -> memref<156x32xi32, #tpu.memory_space<hbm>>
      %dma_wait3A_98 = arith.constant 0 : i32
      %dma_wait3A_99 = arith.constant 0 : i32
      %dma_wait3A_100 = tpu.memref_slice %arg5[%add3A, %run_scoped3A, %dma_wait3A_98, %dma_wait3A_99] : memref<32x2x156x32xi32, #tpu.memory_space<hbm>> -> memref<1x1x156x32xi32, #tpu.memory_space<hbm>>
      %dma_wait3A_101 = tpu.memref_squeeze %dma_wait3A_100 : memref<1x1x156x32xi32, #tpu.memory_space<hbm>> -> memref<156x32xi32, #tpu.memory_space<hbm>>
      tpu.wait_dma2 semaphore(%run_scoped3A_86 : memref<!tpu.dma_semaphore, #tpu.memory_space<semaphore_mem>>) src(%dma_wait3A_101 : memref<156x32xi32, #tpu.memory_space<hbm>>) dst(%arg10 : memref<156x32xi32, #tpu.memory_space<vmem>>)
      tpu.yield
    }) : () -> ()
    %dma_start3A = arith.constant 0 : i32
    %dma_start3A_5 = tpu.memref_slice %arg9[%dma_start3A] : memref<4992xi32, #tpu.memory_space<vmem>> -> memref<32xi32, #tpu.memory_space<vmem>>
    %dma_start3A_6 = arith.constant 0 : i32
    %dma_start3A_7 = arith.constant 0 : i32
    %dma_start3A_8 = tpu.memref_slice %arg2[%dma_start3A_6, %dma_start3A_7] : memref<10000x128xf32, #tpu.memory_space<hbm>> -> memref<10000x128xf32, #tpu.memory_space<hbm>>
    tpu.enqueue_indirect_dma source(%dma_start3A_8 : memref<10000x128xf32, #tpu.memory_space<hbm>>) target(%arg13 : memref<32x128xf32, #tpu.memory_space<vmem>>) offsets(%dma_start3A_5 : memref<32xi32, #tpu.memory_space<vmem>>) semaphore(%arg20 : memref<!tpu.dma_semaphore, #tpu.memory_space<semaphore_mem>>)
    %dma_start3A_9 = arith.constant 32 : i32
    %dma_start3A_10 = tpu.memref_slice %arg9[%dma_start3A_9] : memref<4992xi32, #tpu.memory_space<vmem>> -> memref<32xi32, #tpu.memory_space<vmem>>
    %dma_start3A_11 = arith.constant 0 : i32
    %dma_start3A_12 = arith.constant 0 : i32
    %dma_start3A_13 = tpu.memref_slice %arg2[%dma_start3A_11, %dma_start3A_12] : memref<10000x128xf32, #tpu.memory_space<hbm>> -> memref<10000x128xf32, #tpu.memory_space<hbm>>
    tpu.enqueue_indirect_dma source(%dma_start3A_13 : memref<10000x128xf32, #tpu.memory_space<hbm>>) target(%arg14 : memref<32x128xf32, #tpu.memory_space<vmem>>) offsets(%dma_start3A_10 : memref<32xi32, #tpu.memory_space<vmem>>) semaphore(%arg21 : memref<!tpu.dma_semaphore, #tpu.memory_space<semaphore_mem>>)
    %dma_start3A_14 = arith.constant 64 : i32
    %dma_start3A_15 = tpu.memref_slice %arg9[%dma_start3A_14] : memref<4992xi32, #tpu.memory_space<vmem>> -> memref<32xi32, #tpu.memory_space<vmem>>
    %dma_start3A_16 = arith.constant 0 : i32
    %dma_start3A_17 = arith.constant 0 : i32
    %dma_start3A_18 = tpu.memref_slice %arg2[%dma_start3A_16, %dma_start3A_17] : memref<10000x128xf32, #tpu.memory_space<hbm>> -> memref<10000x128xf32, #tpu.memory_space<hbm>>
    tpu.enqueue_indirect_dma source(%dma_start3A_18 : memref<10000x128xf32, #tpu.memory_space<hbm>>) target(%arg15 : memref<32x128xf32, #tpu.memory_space<vmem>>) offsets(%dma_start3A_15 : memref<32xi32, #tpu.memory_space<vmem>>) semaphore(%arg22 : memref<!tpu.dma_semaphore, #tpu.memory_space<semaphore_mem>>)
    %dma_start3A_19 = arith.constant 96 : i32
    %dma_start3A_20 = tpu.memref_slice %arg9[%dma_start3A_19] : memref<4992xi32, #tpu.memory_space<vmem>> -> memref<32xi32, #tpu.memory_space<vmem>>
    %dma_start3A_21 = arith.constant 0 : i32
    %dma_start3A_22 = arith.constant 0 : i32
    %dma_start3A_23 = tpu.memref_slice %arg2[%dma_start3A_21, %dma_start3A_22] : memref<10000x128xf32, #tpu.memory_space<hbm>> -> memref<10000x128xf32, #tpu.memory_space<hbm>>
    tpu.enqueue_indirect_dma source(%dma_start3A_23 : memref<10000x128xf32, #tpu.memory_space<hbm>>) target(%arg16 : memref<32x128xf32, #tpu.memory_space<vmem>>) offsets(%dma_start3A_20 : memref<32xi32, #tpu.memory_space<vmem>>) semaphore(%arg23 : memref<!tpu.dma_semaphore, #tpu.memory_space<semaphore_mem>>)
    %dma_start3A_24 = arith.constant 128 : i32
    %dma_start3A_25 = tpu.memref_slice %arg9[%dma_start3A_24] : memref<4992xi32, #tpu.memory_space<vmem>> -> memref<32xi32, #tpu.memory_space<vmem>>
    %dma_start3A_26 = arith.constant 0 : i32
    %dma_start3A_27 = arith.constant 0 : i32
    %dma_start3A_28 = tpu.memref_slice %arg2[%dma_start3A_26, %dma_start3A_27] : memref<10000x128xf32, #tpu.memory_space<hbm>> -> memref<10000x128xf32, #tpu.memory_space<hbm>>
    tpu.enqueue_indirect_dma source(%dma_start3A_28 : memref<10000x128xf32, #tpu.memory_space<hbm>>) target(%arg17 : memref<32x128xf32, #tpu.memory_space<vmem>>) offsets(%dma_start3A_25 : memref<32xi32, #tpu.memory_space<vmem>>) semaphore(%arg24 : memref<!tpu.dma_semaphore, #tpu.memory_space<semaphore_mem>>)
    %dma_start3A_29 = arith.constant 160 : i32
    %dma_start3A_30 = tpu.memref_slice %arg9[%dma_start3A_29] : memref<4992xi32, #tpu.memory_space<vmem>> -> memref<32xi32, #tpu.memory_space<vmem>>
    %dma_start3A_31 = arith.constant 0 : i32
    %dma_start3A_32 = arith.constant 0 : i32
    %dma_start3A_33 = tpu.memref_slice %arg2[%dma_start3A_31, %dma_start3A_32] : memref<10000x128xf32, #tpu.memory_space<hbm>> -> memref<10000x128xf32, #tpu.memory_space<hbm>>
    tpu.enqueue_indirect_dma source(%dma_start3A_33 : memref<10000x128xf32, #tpu.memory_space<hbm>>) target(%arg18 : memref<32x128xf32, #tpu.memory_space<vmem>>) offsets(%dma_start3A_30 : memref<32xi32, #tpu.memory_space<vmem>>) semaphore(%arg25 : memref<!tpu.dma_semaphore, #tpu.memory_space<semaphore_mem>>)
    %scan3A = arith.constant 0 : i32
    %scan3A_34 = arith.constant 0 : i32
    %scan3A_35 = arith.constant 26 : i32
    %scan3A_36 = arith.addi %scan3A_34, %scan3A_35 : i32
    %scan3A_37 = arith.constant 1 : i32
    scf.for %scan3A_86 = %scan3A_34 to %scan3A_36 step %scan3A_37  : i32 {
      %mul3A_87 = arith.constant 6 : i32
      %mul3A_88 = arith.muli %mul3A_87, %scan3A_86 : i32
      %add3A_89 = arith.constant 0 : i32
      %add3A_90 = arith.addi %mul3A_88, %add3A_89 : i32
      %mul3A_91 = arith.constant 32 : i32
      %mul3A_92 = arith.muli %add3A_90, %mul3A_91 : i32
      %dma_wait3A = tpu.memref_slice %arg9[%mul3A_92] : memref<4992xi32, #tpu.memory_space<vmem>> -> memref<32xi32, #tpu.memory_space<vmem>>
      %dma_wait3A_93 = arith.constant 0 : i32
      %dma_wait3A_94 = arith.constant 0 : i32
      %dma_wait3A_95 = tpu.memref_slice %arg2[%dma_wait3A_93, %dma_wait3A_94] : memref<10000x128xf32, #tpu.memory_space<hbm>> -> memref<10000x128xf32, #tpu.memory_space<hbm>>
      tpu.wait_indirect_dma semaphore(%arg20 : memref<!tpu.dma_semaphore, #tpu.memory_space<semaphore_mem>>) src(%dma_wait3A_95 : memref<10000x128xf32, #tpu.memory_space<hbm>>) dst(%arg13 : memref<32x128xf32, #tpu.memory_space<vmem>>)
      %add3A_96 = arith.constant 0 : i32
      %add3A_97 = arith.addi %mul3A_88, %add3A_96 : i32
      %dma_start3A_98 = arith.constant 0 : i32
      %dma_start3A_99 = tpu.memref_slice %arg10[%add3A_97, %dma_start3A_98] : memref<156x32xi32, #tpu.memory_space<vmem>> -> memref<1x32xi32, #tpu.memory_space<vmem>>
      %dma_start3A_100 = tpu.memref_squeeze %dma_start3A_99 : memref<1x32xi32, #tpu.memory_space<vmem>> -> memref<32xi32, #tpu.memory_space<vmem>>
      %dma_start3A_101 = arith.constant 0 : i32
      %dma_start3A_102 = arith.constant 0 : i32
      %dma_start3A_103 = tpu.memref_slice %arg19[%dma_start3A_101, %dma_start3A_102] : memref<10000x128xf32, #tpu.memory_space<vmem_shared>> -> memref<10000x128xf32, #tpu.memory_space<vmem_shared>>
      tpu.enqueue_indirect_dma source(%arg13 : memref<32x128xf32, #tpu.memory_space<vmem>>) target(%dma_start3A_103 : memref<10000x128xf32, #tpu.memory_space<vmem_shared>>) offsets(%dma_start3A_100 : memref<32xi32, #tpu.memory_space<vmem>>) semaphore(%arg26 : memref<!tpu.dma_semaphore, #tpu.memory_space<semaphore_mem>>) {add = true}
      %add3A_104 = arith.constant 1 : i32
      %add3A_105 = arith.addi %mul3A_88, %add3A_104 : i32
      %mul3A_106 = arith.constant 32 : i32
      %mul3A_107 = arith.muli %add3A_105, %mul3A_106 : i32
      %dma_wait3A_108 = tpu.memref_slice %arg9[%mul3A_107] : memref<4992xi32, #tpu.memory_space<vmem>> -> memref<32xi32, #tpu.memory_space<vmem>>
      %dma_wait3A_109 = arith.constant 0 : i32
      %dma_wait3A_110 = arith.constant 0 : i32
      %dma_wait3A_111 = tpu.memref_slice %arg2[%dma_wait3A_109, %dma_wait3A_110] : memref<10000x128xf32, #tpu.memory_space<hbm>> -> memref<10000x128xf32, #tpu.memory_space<hbm>>
      tpu.wait_indirect_dma semaphore(%arg21 : memref<!tpu.dma_semaphore, #tpu.memory_space<semaphore_mem>>) src(%dma_wait3A_111 : memref<10000x128xf32, #tpu.memory_space<hbm>>) dst(%arg14 : memref<32x128xf32, #tpu.memory_space<vmem>>)
      %add3A_112 = arith.constant 1 : i32
      %add3A_113 = arith.addi %mul3A_88, %add3A_112 : i32
      %dma_start3A_114 = arith.constant 0 : i32
      %dma_start3A_115 = tpu.memref_slice %arg10[%add3A_113, %dma_start3A_114] : memref<156x32xi32, #tpu.memory_space<vmem>> -> memref<1x32xi32, #tpu.memory_space<vmem>>
      %dma_start3A_116 = tpu.memref_squeeze %dma_start3A_115 : memref<1x32xi32, #tpu.memory_space<vmem>> -> memref<32xi32, #tpu.memory_space<vmem>>
      %dma_start3A_117 = arith.constant 0 : i32
      %dma_start3A_118 = arith.constant 0 : i32
      %dma_start3A_119 = tpu.memref_slice %arg19[%dma_start3A_117, %dma_start3A_118] : memref<10000x128xf32, #tpu.memory_space<vmem_shared>> -> memref<10000x128xf32, #tpu.memory_space<vmem_shared>>
      tpu.enqueue_indirect_dma source(%arg14 : memref<32x128xf32, #tpu.memory_space<vmem>>) target(%dma_start3A_119 : memref<10000x128xf32, #tpu.memory_space<vmem_shared>>) offsets(%dma_start3A_116 : memref<32xi32, #tpu.memory_space<vmem>>) semaphore(%arg27 : memref<!tpu.dma_semaphore, #tpu.memory_space<semaphore_mem>>) {add = true}
      %add3A_120 = arith.constant 2 : i32
      %add3A_121 = arith.addi %mul3A_88, %add3A_120 : i32
      %mul3A_122 = arith.constant 32 : i32
      %mul3A_123 = arith.muli %add3A_121, %mul3A_122 : i32
      %dma_wait3A_124 = tpu.memref_slice %arg9[%mul3A_123] : memref<4992xi32, #tpu.memory_space<vmem>> -> memref<32xi32, #tpu.memory_space<vmem>>
      %dma_wait3A_125 = arith.constant 0 : i32
      %dma_wait3A_126 = arith.constant 0 : i32
      %dma_wait3A_127 = tpu.memref_slice %arg2[%dma_wait3A_125, %dma_wait3A_126] : memref<10000x128xf32, #tpu.memory_space<hbm>> -> memref<10000x128xf32, #tpu.memory_space<hbm>>
      tpu.wait_indirect_dma semaphore(%arg22 : memref<!tpu.dma_semaphore, #tpu.memory_space<semaphore_mem>>) src(%dma_wait3A_127 : memref<10000x128xf32, #tpu.memory_space<hbm>>) dst(%arg15 : memref<32x128xf32, #tpu.memory_space<vmem>>)
      %add3A_128 = arith.constant 2 : i32
      %add3A_129 = arith.addi %mul3A_88, %add3A_128 : i32
      %dma_start3A_130 = arith.constant 0 : i32
      %dma_start3A_131 = tpu.memref_slice %arg10[%add3A_129, %dma_start3A_130] : memref<156x32xi32, #tpu.memory_space<vmem>> -> memref<1x32xi32, #tpu.memory_space<vmem>>
      %dma_start3A_132 = tpu.memref_squeeze %dma_start3A_131 : memref<1x32xi32, #tpu.memory_space<vmem>> -> memref<32xi32, #tpu.memory_space<vmem>>
      %dma_start3A_133 = arith.constant 0 : i32
      %dma_start3A_134 = arith.constant 0 : i32
      %dma_start3A_135 = tpu.memref_slice %arg19[%dma_start3A_133, %dma_start3A_134] : memref<10000x128xf32, #tpu.memory_space<vmem_shared>> -> memref<10000x128xf32, #tpu.memory_space<vmem_shared>>
      tpu.enqueue_indirect_dma source(%arg15 : memref<32x128xf32, #tpu.memory_space<vmem>>) target(%dma_start3A_135 : memref<10000x128xf32, #tpu.memory_space<vmem_shared>>) offsets(%dma_start3A_132 : memref<32xi32, #tpu.memory_space<vmem>>) semaphore(%arg28 : memref<!tpu.dma_semaphore, #tpu.memory_space<semaphore_mem>>) {add = true}
      %add3A_136 = arith.constant 3 : i32
      %add3A_137 = arith.addi %mul3A_88, %add3A_136 : i32
      %mul3A_138 = arith.constant 32 : i32
      %mul3A_139 = arith.muli %add3A_137, %mul3A_138 : i32
      %dma_wait3A_140 = tpu.memref_slice %arg9[%mul3A_139] : memref<4992xi32, #tpu.memory_space<vmem>> -> memref<32xi32, #tpu.memory_space<vmem>>
      %dma_wait3A_141 = arith.constant 0 : i32
      %dma_wait3A_142 = arith.constant 0 : i32
      %dma_wait3A_143 = tpu.memref_slice %arg2[%dma_wait3A_141, %dma_wait3A_142] : memref<10000x128xf32, #tpu.memory_space<hbm>> -> memref<10000x128xf32, #tpu.memory_space<hbm>>
      tpu.wait_indirect_dma semaphore(%arg23 : memref<!tpu.dma_semaphore, #tpu.memory_space<semaphore_mem>>) src(%dma_wait3A_143 : memref<10000x128xf32, #tpu.memory_space<hbm>>) dst(%arg16 : memref<32x128xf32, #tpu.memory_space<vmem>>)
      %add3A_144 = arith.constant 3 : i32
      %add3A_145 = arith.addi %mul3A_88, %add3A_144 : i32
      %dma_start3A_146 = arith.constant 0 : i32
      %dma_start3A_147 = tpu.memref_slice %arg10[%add3A_145, %dma_start3A_146] : memref<156x32xi32, #tpu.memory_space<vmem>> -> memref<1x32xi32, #tpu.memory_space<vmem>>
      %dma_start3A_148 = tpu.memref_squeeze %dma_start3A_147 : memref<1x32xi32, #tpu.memory_space<vmem>> -> memref<32xi32, #tpu.memory_space<vmem>>
      %dma_start3A_149 = arith.constant 0 : i32
      %dma_start3A_150 = arith.constant 0 : i32
      %dma_start3A_151 = tpu.memref_slice %arg19[%dma_start3A_149, %dma_start3A_150] : memref<10000x128xf32, #tpu.memory_space<vmem_shared>> -> memref<10000x128xf32, #tpu.memory_space<vmem_shared>>
      tpu.enqueue_indirect_dma source(%arg16 : memref<32x128xf32, #tpu.memory_space<vmem>>) target(%dma_start3A_151 : memref<10000x128xf32, #tpu.memory_space<vmem_shared>>) offsets(%dma_start3A_148 : memref<32xi32, #tpu.memory_space<vmem>>) semaphore(%arg29 : memref<!tpu.dma_semaphore, #tpu.memory_space<semaphore_mem>>) {add = true}
      %add3A_152 = arith.constant 4 : i32
      %add3A_153 = arith.addi %mul3A_88, %add3A_152 : i32
      %mul3A_154 = arith.constant 32 : i32
      %mul3A_155 = arith.muli %add3A_153, %mul3A_154 : i32
      %dma_wait3A_156 = tpu.memref_slice %arg9[%mul3A_155] : memref<4992xi32, #tpu.memory_space<vmem>> -> memref<32xi32, #tpu.memory_space<vmem>>
      %dma_wait3A_157 = arith.constant 0 : i32
      %dma_wait3A_158 = arith.constant 0 : i32
      %dma_wait3A_159 = tpu.memref_slice %arg2[%dma_wait3A_157, %dma_wait3A_158] : memref<10000x128xf32, #tpu.memory_space<hbm>> -> memref<10000x128xf32, #tpu.memory_space<hbm>>
      tpu.wait_indirect_dma semaphore(%arg24 : memref<!tpu.dma_semaphore, #tpu.memory_space<semaphore_mem>>) src(%dma_wait3A_159 : memref<10000x128xf32, #tpu.memory_space<hbm>>) dst(%arg17 : memref<32x128xf32, #tpu.memory_space<vmem>>)
      %add3A_160 = arith.constant 4 : i32
      %add3A_161 = arith.addi %mul3A_88, %add3A_160 : i32
      %dma_start3A_162 = arith.constant 0 : i32
      %dma_start3A_163 = tpu.memref_slice %arg10[%add3A_161, %dma_start3A_162] : memref<156x32xi32, #tpu.memory_space<vmem>> -> memref<1x32xi32, #tpu.memory_space<vmem>>
      %dma_start3A_164 = tpu.memref_squeeze %dma_start3A_163 : memref<1x32xi32, #tpu.memory_space<vmem>> -> memref<32xi32, #tpu.memory_space<vmem>>
      %dma_start3A_165 = arith.constant 0 : i32
      %dma_start3A_166 = arith.constant 0 : i32
      %dma_start3A_167 = tpu.memref_slice %arg19[%dma_start3A_165, %dma_start3A_166] : memref<10000x128xf32, #tpu.memory_space<vmem_shared>> -> memref<10000x128xf32, #tpu.memory_space<vmem_shared>>
      tpu.enqueue_indirect_dma source(%arg17 : memref<32x128xf32, #tpu.memory_space<vmem>>) target(%dma_start3A_167 : memref<10000x128xf32, #tpu.memory_space<vmem_shared>>) offsets(%dma_start3A_164 : memref<32xi32, #tpu.memory_space<vmem>>) semaphore(%arg30 : memref<!tpu.dma_semaphore, #tpu.memory_space<semaphore_mem>>) {add = true}
      %add3A_168 = arith.constant 5 : i32
      %add3A_169 = arith.addi %mul3A_88, %add3A_168 : i32
      %mul3A_170 = arith.constant 32 : i32
      %mul3A_171 = arith.muli %add3A_169, %mul3A_170 : i32
      %dma_wait3A_172 = tpu.memref_slice %arg9[%mul3A_171] : memref<4992xi32, #tpu.memory_space<vmem>> -> memref<32xi32, #tpu.memory_space<vmem>>
      %dma_wait3A_173 = arith.constant 0 : i32
      %dma_wait3A_174 = arith.constant 0 : i32
      %dma_wait3A_175 = tpu.memref_slice %arg2[%dma_wait3A_173, %dma_wait3A_174] : memref<10000x128xf32, #tpu.memory_space<hbm>> -> memref<10000x128xf32, #tpu.memory_space<hbm>>
      tpu.wait_indirect_dma semaphore(%arg25 : memref<!tpu.dma_semaphore, #tpu.memory_space<semaphore_mem>>) src(%dma_wait3A_175 : memref<10000x128xf32, #tpu.memory_space<hbm>>) dst(%arg18 : memref<32x128xf32, #tpu.memory_space<vmem>>)
      %add3A_176 = arith.constant 5 : i32
      %add3A_177 = arith.addi %mul3A_88, %add3A_176 : i32
      %dma_start3A_178 = arith.constant 0 : i32
      %dma_start3A_179 = tpu.memref_slice %arg10[%add3A_177, %dma_start3A_178] : memref<156x32xi32, #tpu.memory_space<vmem>> -> memref<1x32xi32, #tpu.memory_space<vmem>>
      %dma_start3A_180 = tpu.memref_squeeze %dma_start3A_179 : memref<1x32xi32, #tpu.memory_space<vmem>> -> memref<32xi32, #tpu.memory_space<vmem>>
      %dma_start3A_181 = arith.constant 0 : i32
      %dma_start3A_182 = arith.constant 0 : i32
      %dma_start3A_183 = tpu.memref_slice %arg19[%dma_start3A_181, %dma_start3A_182] : memref<10000x128xf32, #tpu.memory_space<vmem_shared>> -> memref<10000x128xf32, #tpu.memory_space<vmem_shared>>
      tpu.enqueue_indirect_dma source(%arg18 : memref<32x128xf32, #tpu.memory_space<vmem>>) target(%dma_start3A_183 : memref<10000x128xf32, #tpu.memory_space<vmem_shared>>) offsets(%dma_start3A_180 : memref<32xi32, #tpu.memory_space<vmem>>) semaphore(%arg31 : memref<!tpu.dma_semaphore, #tpu.memory_space<semaphore_mem>>) {add = true}
      %add3A_184 = arith.constant 0 : i32
      %add3A_185 = arith.addi %mul3A_88, %add3A_184 : i32
      %dma_wait3A_186 = arith.constant 0 : i32
      %dma_wait3A_187 = tpu.memref_slice %arg10[%add3A_185, %dma_wait3A_186] : memref<156x32xi32, #tpu.memory_space<vmem>> -> memref<1x32xi32, #tpu.memory_space<vmem>>
      %dma_wait3A_188 = tpu.memref_squeeze %dma_wait3A_187 : memref<1x32xi32, #tpu.memory_space<vmem>> -> memref<32xi32, #tpu.memory_space<vmem>>
      %dma_wait3A_189 = arith.constant 0 : i32
      %dma_wait3A_190 = arith.constant 0 : i32
      %dma_wait3A_191 = tpu.memref_slice %arg19[%dma_wait3A_189, %dma_wait3A_190] : memref<10000x128xf32, #tpu.memory_space<vmem_shared>> -> memref<10000x128xf32, #tpu.memory_space<vmem_shared>>
      tpu.wait_indirect_dma semaphore(%arg26 : memref<!tpu.dma_semaphore, #tpu.memory_space<semaphore_mem>>) src(%arg13 : memref<32x128xf32, #tpu.memory_space<vmem>>) dst(%dma_wait3A_191 : memref<10000x128xf32, #tpu.memory_space<vmem_shared>>)
      %add3A_192 = arith.constant 6 : i32
      %add3A_193 = arith.addi %mul3A_88, %add3A_192 : i32
      %add3A_194 = arith.constant 0 : i32
      %add3A_195 = arith.addi %add3A_193, %add3A_194 : i32
      %lt3A = arith.constant 156 : i32
      %lt3A_196 = arith.cmpi slt, %add3A_195, %lt3A : i32
      %convert_element_type3A_197 = arith.extui %lt3A_196 : i1 to i32
      %cond3A_198 = arith.constant 0 : i32
      %cond3A_199 = arith.cmpi ne, %convert_element_type3A_197, %cond3A_198 : i32
      scf.if %cond3A_199 {
        %add3A_285 = arith.constant 6 : i32
        %add3A_286 = arith.addi %mul3A_88, %add3A_285 : i32
        %add3A_287 = arith.constant 0 : i32
        %add3A_288 = arith.addi %add3A_286, %add3A_287 : i32
        %mul3A_289 = arith.constant 32 : i32
        %mul3A_290 = arith.muli %add3A_288, %mul3A_289 : i32
        %dma_start3A_291 = tpu.memref_slice %arg9[%mul3A_290] : memref<4992xi32, #tpu.memory_space<vmem>> -> memref<32xi32, #tpu.memory_space<vmem>>
        %dma_start3A_292 = arith.constant 0 : i32
        %dma_start3A_293 = arith.constant 0 : i32
        %dma_start3A_294 = tpu.memref_slice %arg2[%dma_start3A_292, %dma_start3A_293] : memref<10000x128xf32, #tpu.memory_space<hbm>> -> memref<10000x128xf32, #tpu.memory_space<hbm>>
        tpu.enqueue_indirect_dma source(%dma_start3A_294 : memref<10000x128xf32, #tpu.memory_space<hbm>>) target(%arg13 : memref<32x128xf32, #tpu.memory_space<vmem>>) offsets(%dma_start3A_291 : memref<32xi32, #tpu.memory_space<vmem>>) semaphore(%arg20 : memref<!tpu.dma_semaphore, #tpu.memory_space<semaphore_mem>>)
      } else {
      }
      %add3A_200 = arith.constant 1 : i32
      %add3A_201 = arith.addi %mul3A_88, %add3A_200 : i32
      %dma_wait3A_202 = arith.constant 0 : i32
      %dma_wait3A_203 = tpu.memref_slice %arg10[%add3A_201, %dma_wait3A_202] : memref<156x32xi32, #tpu.memory_space<vmem>> -> memref<1x32xi32, #tpu.memory_space<vmem>>
      %dma_wait3A_204 = tpu.memref_squeeze %dma_wait3A_203 : memref<1x32xi32, #tpu.memory_space<vmem>> -> memref<32xi32, #tpu.memory_space<vmem>>
      %dma_wait3A_205 = arith.constant 0 : i32
      %dma_wait3A_206 = arith.constant 0 : i32
      %dma_wait3A_207 = tpu.memref_slice %arg19[%dma_wait3A_205, %dma_wait3A_206] : memref<10000x128xf32, #tpu.memory_space<vmem_shared>> -> memref<10000x128xf32, #tpu.memory_space<vmem_shared>>
      tpu.wait_indirect_dma semaphore(%arg27 : memref<!tpu.dma_semaphore, #tpu.memory_space<semaphore_mem>>) src(%arg14 : memref<32x128xf32, #tpu.memory_space<vmem>>) dst(%dma_wait3A_207 : memref<10000x128xf32, #tpu.memory_space<vmem_shared>>)
      %add3A_208 = arith.constant 6 : i32
      %add3A_209 = arith.addi %mul3A_88, %add3A_208 : i32
      %add3A_210 = arith.constant 1 : i32
      %add3A_211 = arith.addi %add3A_209, %add3A_210 : i32
      %lt3A_212 = arith.constant 156 : i32
      %lt3A_213 = arith.cmpi slt, %add3A_211, %lt3A_212 : i32
      %convert_element_type3A_214 = arith.extui %lt3A_213 : i1 to i32
      %cond3A_215 = arith.constant 0 : i32
      %cond3A_216 = arith.cmpi ne, %convert_element_type3A_214, %cond3A_215 : i32
      scf.if %cond3A_216 {
        %add3A_285 = arith.constant 6 : i32
        %add3A_286 = arith.addi %mul3A_88, %add3A_285 : i32
        %add3A_287 = arith.constant 1 : i32
        %add3A_288 = arith.addi %add3A_286, %add3A_287 : i32
        %mul3A_289 = arith.constant 32 : i32
        %mul3A_290 = arith.muli %add3A_288, %mul3A_289 : i32
        %dma_start3A_291 = tpu.memref_slice %arg9[%mul3A_290] : memref<4992xi32, #tpu.memory_space<vmem>> -> memref<32xi32, #tpu.memory_space<vmem>>
        %dma_start3A_292 = arith.constant 0 : i32
        %dma_start3A_293 = arith.constant 0 : i32
        %dma_start3A_294 = tpu.memref_slice %arg2[%dma_start3A_292, %dma_start3A_293] : memref<10000x128xf32, #tpu.memory_space<hbm>> -> memref<10000x128xf32, #tpu.memory_space<hbm>>
        tpu.enqueue_indirect_dma source(%dma_start3A_294 : memref<10000x128xf32, #tpu.memory_space<hbm>>) target(%arg14 : memref<32x128xf32, #tpu.memory_space<vmem>>) offsets(%dma_start3A_291 : memref<32xi32, #tpu.memory_space<vmem>>) semaphore(%arg21 : memref<!tpu.dma_semaphore, #tpu.memory_space<semaphore_mem>>)
      } else {
      }
      %add3A_217 = arith.constant 2 : i32
      %add3A_218 = arith.addi %mul3A_88, %add3A_217 : i32
      %dma_wait3A_219 = arith.constant 0 : i32
      %dma_wait3A_220 = tpu.memref_slice %arg10[%add3A_218, %dma_wait3A_219] : memref<156x32xi32, #tpu.memory_space<vmem>> -> memref<1x32xi32, #tpu.memory_space<vmem>>
      %dma_wait3A_221 = tpu.memref_squeeze %dma_wait3A_220 : memref<1x32xi32, #tpu.memory_space<vmem>> -> memref<32xi32, #tpu.memory_space<vmem>>
      %dma_wait3A_222 = arith.constant 0 : i32
      %dma_wait3A_223 = arith.constant 0 : i32
      %dma_wait3A_224 = tpu.memref_slice %arg19[%dma_wait3A_222, %dma_wait3A_223] : memref<10000x128xf32, #tpu.memory_space<vmem_shared>> -> memref<10000x128xf32, #tpu.memory_space<vmem_shared>>
      tpu.wait_indirect_dma semaphore(%arg28 : memref<!tpu.dma_semaphore, #tpu.memory_space<semaphore_mem>>) src(%arg15 : memref<32x128xf32, #tpu.memory_space<vmem>>) dst(%dma_wait3A_224 : memref<10000x128xf32, #tpu.memory_space<vmem_shared>>)
      %add3A_225 = arith.constant 6 : i32
      %add3A_226 = arith.addi %mul3A_88, %add3A_225 : i32
      %add3A_227 = arith.constant 2 : i32
      %add3A_228 = arith.addi %add3A_226, %add3A_227 : i32
      %lt3A_229 = arith.constant 156 : i32
      %lt3A_230 = arith.cmpi slt, %add3A_228, %lt3A_229 : i32
      %convert_element_type3A_231 = arith.extui %lt3A_230 : i1 to i32
      %cond3A_232 = arith.constant 0 : i32
      %cond3A_233 = arith.cmpi ne, %convert_element_type3A_231, %cond3A_232 : i32
      scf.if %cond3A_233 {
        %add3A_285 = arith.constant 6 : i32
        %add3A_286 = arith.addi %mul3A_88, %add3A_285 : i32
        %add3A_287 = arith.constant 2 : i32
        %add3A_288 = arith.addi %add3A_286, %add3A_287 : i32
        %mul3A_289 = arith.constant 32 : i32
        %mul3A_290 = arith.muli %add3A_288, %mul3A_289 : i32
        %dma_start3A_291 = tpu.memref_slice %arg9[%mul3A_290] : memref<4992xi32, #tpu.memory_space<vmem>> -> memref<32xi32, #tpu.memory_space<vmem>>
        %dma_start3A_292 = arith.constant 0 : i32
        %dma_start3A_293 = arith.constant 0 : i32
        %dma_start3A_294 = tpu.memref_slice %arg2[%dma_start3A_292, %dma_start3A_293] : memref<10000x128xf32, #tpu.memory_space<hbm>> -> memref<10000x128xf32, #tpu.memory_space<hbm>>
        tpu.enqueue_indirect_dma source(%dma_start3A_294 : memref<10000x128xf32, #tpu.memory_space<hbm>>) target(%arg15 : memref<32x128xf32, #tpu.memory_space<vmem>>) offsets(%dma_start3A_291 : memref<32xi32, #tpu.memory_space<vmem>>) semaphore(%arg22 : memref<!tpu.dma_semaphore, #tpu.memory_space<semaphore_mem>>)
      } else {
      }
      %add3A_234 = arith.constant 3 : i32
      %add3A_235 = arith.addi %mul3A_88, %add3A_234 : i32
      %dma_wait3A_236 = arith.constant 0 : i32
      %dma_wait3A_237 = tpu.memref_slice %arg10[%add3A_235, %dma_wait3A_236] : memref<156x32xi32, #tpu.memory_space<vmem>> -> memref<1x32xi32, #tpu.memory_space<vmem>>
      %dma_wait3A_238 = tpu.memref_squeeze %dma_wait3A_237 : memref<1x32xi32, #tpu.memory_space<vmem>> -> memref<32xi32, #tpu.memory_space<vmem>>
      %dma_wait3A_239 = arith.constant 0 : i32
      %dma_wait3A_240 = arith.constant 0 : i32
      %dma_wait3A_241 = tpu.memref_slice %arg19[%dma_wait3A_239, %dma_wait3A_240] : memref<10000x128xf32, #tpu.memory_space<vmem_shared>> -> memref<10000x128xf32, #tpu.memory_space<vmem_shared>>
      tpu.wait_indirect_dma semaphore(%arg29 : memref<!tpu.dma_semaphore, #tpu.memory_space<semaphore_mem>>) src(%arg16 : memref<32x128xf32, #tpu.memory_space<vmem>>) dst(%dma_wait3A_241 : memref<10000x128xf32, #tpu.memory_space<vmem_shared>>)
      %add3A_242 = arith.constant 6 : i32
      %add3A_243 = arith.addi %mul3A_88, %add3A_242 : i32
      %add3A_244 = arith.constant 3 : i32
      %add3A_245 = arith.addi %add3A_243, %add3A_244 : i32
      %lt3A_246 = arith.constant 156 : i32
      %lt3A_247 = arith.cmpi slt, %add3A_245, %lt3A_246 : i32
      %convert_element_type3A_248 = arith.extui %lt3A_247 : i1 to i32
      %cond3A_249 = arith.constant 0 : i32
      %cond3A_250 = arith.cmpi ne, %convert_element_type3A_248, %cond3A_249 : i32
      scf.if %cond3A_250 {
        %add3A_285 = arith.constant 6 : i32
        %add3A_286 = arith.addi %mul3A_88, %add3A_285 : i32
        %add3A_287 = arith.constant 3 : i32
        %add3A_288 = arith.addi %add3A_286, %add3A_287 : i32
        %mul3A_289 = arith.constant 32 : i32
        %mul3A_290 = arith.muli %add3A_288, %mul3A_289 : i32
        %dma_start3A_291 = tpu.memref_slice %arg9[%mul3A_290] : memref<4992xi32, #tpu.memory_space<vmem>> -> memref<32xi32, #tpu.memory_space<vmem>>
        %dma_start3A_292 = arith.constant 0 : i32
        %dma_start3A_293 = arith.constant 0 : i32
        %dma_start3A_294 = tpu.memref_slice %arg2[%dma_start3A_292, %dma_start3A_293] : memref<10000x128xf32, #tpu.memory_space<hbm>> -> memref<10000x128xf32, #tpu.memory_space<hbm>>
        tpu.enqueue_indirect_dma source(%dma_start3A_294 : memref<10000x128xf32, #tpu.memory_space<hbm>>) target(%arg16 : memref<32x128xf32, #tpu.memory_space<vmem>>) offsets(%dma_start3A_291 : memref<32xi32, #tpu.memory_space<vmem>>) semaphore(%arg23 : memref<!tpu.dma_semaphore, #tpu.memory_space<semaphore_mem>>)
      } else {
      }
      %add3A_251 = arith.constant 4 : i32
      %add3A_252 = arith.addi %mul3A_88, %add3A_251 : i32
      %dma_wait3A_253 = arith.constant 0 : i32
      %dma_wait3A_254 = tpu.memref_slice %arg10[%add3A_252, %dma_wait3A_253] : memref<156x32xi32, #tpu.memory_space<vmem>> -> memref<1x32xi32, #tpu.memory_space<vmem>>
      %dma_wait3A_255 = tpu.memref_squeeze %dma_wait3A_254 : memref<1x32xi32, #tpu.memory_space<vmem>> -> memref<32xi32, #tpu.memory_space<vmem>>
      %dma_wait3A_256 = arith.constant 0 : i32
      %dma_wait3A_257 = arith.constant 0 : i32
      %dma_wait3A_258 = tpu.memref_slice %arg19[%dma_wait3A_256, %dma_wait3A_257] : memref<10000x128xf32, #tpu.memory_space<vmem_shared>> -> memref<10000x128xf32, #tpu.memory_space<vmem_shared>>
      tpu.wait_indirect_dma semaphore(%arg30 : memref<!tpu.dma_semaphore, #tpu.memory_space<semaphore_mem>>) src(%arg17 : memref<32x128xf32, #tpu.memory_space<vmem>>) dst(%dma_wait3A_258 : memref<10000x128xf32, #tpu.memory_space<vmem_shared>>)
      %add3A_259 = arith.constant 6 : i32
      %add3A_260 = arith.addi %mul3A_88, %add3A_259 : i32
      %add3A_261 = arith.constant 4 : i32
      %add3A_262 = arith.addi %add3A_260, %add3A_261 : i32
      %lt3A_263 = arith.constant 156 : i32
      %lt3A_264 = arith.cmpi slt, %add3A_262, %lt3A_263 : i32
      %convert_element_type3A_265 = arith.extui %lt3A_264 : i1 to i32
      %cond3A_266 = arith.constant 0 : i32
      %cond3A_267 = arith.cmpi ne, %convert_element_type3A_265, %cond3A_266 : i32
      scf.if %cond3A_267 {
        %add3A_285 = arith.constant 6 : i32
        %add3A_286 = arith.addi %mul3A_88, %add3A_285 : i32
        %add3A_287 = arith.constant 4 : i32
        %add3A_288 = arith.addi %add3A_286, %add3A_287 : i32
        %mul3A_289 = arith.constant 32 : i32
        %mul3A_290 = arith.muli %add3A_288, %mul3A_289 : i32
        %dma_start3A_291 = tpu.memref_slice %arg9[%mul3A_290] : memref<4992xi32, #tpu.memory_space<vmem>> -> memref<32xi32, #tpu.memory_space<vmem>>
        %dma_start3A_292 = arith.constant 0 : i32
        %dma_start3A_293 = arith.constant 0 : i32
        %dma_start3A_294 = tpu.memref_slice %arg2[%dma_start3A_292, %dma_start3A_293] : memref<10000x128xf32, #tpu.memory_space<hbm>> -> memref<10000x128xf32, #tpu.memory_space<hbm>>
        tpu.enqueue_indirect_dma source(%dma_start3A_294 : memref<10000x128xf32, #tpu.memory_space<hbm>>) target(%arg17 : memref<32x128xf32, #tpu.memory_space<vmem>>) offsets(%dma_start3A_291 : memref<32xi32, #tpu.memory_space<vmem>>) semaphore(%arg24 : memref<!tpu.dma_semaphore, #tpu.memory_space<semaphore_mem>>)
      } else {
      }
      %add3A_268 = arith.constant 5 : i32
      %add3A_269 = arith.addi %mul3A_88, %add3A_268 : i32
      %dma_wait3A_270 = arith.constant 0 : i32
      %dma_wait3A_271 = tpu.memref_slice %arg10[%add3A_269, %dma_wait3A_270] : memref<156x32xi32, #tpu.memory_space<vmem>> -> memref<1x32xi32, #tpu.memory_space<vmem>>
      %dma_wait3A_272 = tpu.memref_squeeze %dma_wait3A_271 : memref<1x32xi32, #tpu.memory_space<vmem>> -> memref<32xi32, #tpu.memory_space<vmem>>
      %dma_wait3A_273 = arith.constant 0 : i32
      %dma_wait3A_274 = arith.constant 0 : i32
      %dma_wait3A_275 = tpu.memref_slice %arg19[%dma_wait3A_273, %dma_wait3A_274] : memref<10000x128xf32, #tpu.memory_space<vmem_shared>> -> memref<10000x128xf32, #tpu.memory_space<vmem_shared>>
      tpu.wait_indirect_dma semaphore(%arg31 : memref<!tpu.dma_semaphore, #tpu.memory_space<semaphore_mem>>) src(%arg18 : memref<32x128xf32, #tpu.memory_space<vmem>>) dst(%dma_wait3A_275 : memref<10000x128xf32, #tpu.memory_space<vmem_shared>>)
      %add3A_276 = arith.constant 6 : i32
      %add3A_277 = arith.addi %mul3A_88, %add3A_276 : i32
      %add3A_278 = arith.constant 5 : i32
      %add3A_279 = arith.addi %add3A_277, %add3A_278 : i32
      %lt3A_280 = arith.constant 156 : i32
      %lt3A_281 = arith.cmpi slt, %add3A_279, %lt3A_280 : i32
      %convert_element_type3A_282 = arith.extui %lt3A_281 : i1 to i32
      %cond3A_283 = arith.constant 0 : i32
      %cond3A_284 = arith.cmpi ne, %convert_element_type3A_282, %cond3A_283 : i32
      scf.if %cond3A_284 {
        %add3A_285 = arith.constant 6 : i32
        %add3A_286 = arith.addi %mul3A_88, %add3A_285 : i32
        %add3A_287 = arith.constant 5 : i32
        %add3A_288 = arith.addi %add3A_286, %add3A_287 : i32
        %mul3A_289 = arith.constant 32 : i32
        %mul3A_290 = arith.muli %add3A_288, %mul3A_289 : i32
        %dma_start3A_291 = tpu.memref_slice %arg9[%mul3A_290] : memref<4992xi32, #tpu.memory_space<vmem>> -> memref<32xi32, #tpu.memory_space<vmem>>
        %dma_start3A_292 = arith.constant 0 : i32
        %dma_start3A_293 = arith.constant 0 : i32
        %dma_start3A_294 = tpu.memref_slice %arg2[%dma_start3A_292, %dma_start3A_293] : memref<10000x128xf32, #tpu.memory_space<hbm>> -> memref<10000x128xf32, #tpu.memory_space<hbm>>
        tpu.enqueue_indirect_dma source(%dma_start3A_294 : memref<10000x128xf32, #tpu.memory_space<hbm>>) target(%arg18 : memref<32x128xf32, #tpu.memory_space<vmem>>) offsets(%dma_start3A_291 : memref<32xi32, #tpu.memory_space<vmem>>) semaphore(%arg25 : memref<!tpu.dma_semaphore, #tpu.memory_space<semaphore_mem>>)
      } else {
      }
    }
    %scan3A_38 = arith.constant 26 : i32
    "tpu.region"() ({
      %run_scoped3A_86 = tpu.sem_alloc : memref<!tpu.dma_semaphore, #tpu.memory_space<semaphore_mem>>
      %dma_start3A_87 = arith.constant 4992 : i32
      %dma_start3A_88 = tpu.memref_slice %arg3[%add3A, %dma_start3A_87] : memref<32x10000xi32, #tpu.memory_space<hbm>> -> memref<1x4992xi32, #tpu.memory_space<hbm>>
      %dma_start3A_89 = tpu.memref_squeeze %dma_start3A_88 : memref<1x4992xi32, #tpu.memory_space<hbm>> -> memref<4992xi32, #tpu.memory_space<hbm>>
      %dma_start3A_90 = arith.constant 4992 : i32
      %dma_start3A_91 = tpu.memref_slice %arg3[%add3A, %dma_start3A_90] : memref<32x10000xi32, #tpu.memory_space<hbm>> -> memref<1x4992xi32, #tpu.memory_space<hbm>>
      %dma_start3A_92 = tpu.memref_squeeze %dma_start3A_91 : memref<1x4992xi32, #tpu.memory_space<hbm>> -> memref<4992xi32, #tpu.memory_space<hbm>>
      tpu.enqueue_dma source(%dma_start3A_92 : memref<4992xi32, #tpu.memory_space<hbm>>) target(%arg9 : memref<4992xi32, #tpu.memory_space<vmem>>) target_semaphore(%run_scoped3A_86 : memref<!tpu.dma_semaphore, #tpu.memory_space<semaphore_mem>>)
      %dma_wait3A = arith.constant 4992 : i32
      %dma_wait3A_93 = tpu.memref_slice %arg3[%add3A, %dma_wait3A] : memref<32x10000xi32, #tpu.memory_space<hbm>> -> memref<1x4992xi32, #tpu.memory_space<hbm>>
      %dma_wait3A_94 = tpu.memref_squeeze %dma_wait3A_93 : memref<1x4992xi32, #tpu.memory_space<hbm>> -> memref<4992xi32, #tpu.memory_space<hbm>>
      %dma_wait3A_95 = arith.constant 4992 : i32
      %dma_wait3A_96 = tpu.memref_slice %arg3[%add3A, %dma_wait3A_95] : memref<32x10000xi32, #tpu.memory_space<hbm>> -> memref<1x4992xi32, #tpu.memory_space<hbm>>
      %dma_wait3A_97 = tpu.memref_squeeze %dma_wait3A_96 : memref<1x4992xi32, #tpu.memory_space<hbm>> -> memref<4992xi32, #tpu.memory_space<hbm>>
      tpu.wait_dma2 semaphore(%run_scoped3A_86 : memref<!tpu.dma_semaphore, #tpu.memory_space<semaphore_mem>>) src(%dma_wait3A_97 : memref<4992xi32, #tpu.memory_space<hbm>>) dst(%arg9 : memref<4992xi32, #tpu.memory_space<vmem>>)
      tpu.yield
    }) : () -> ()
    %run_scoped3A_39 = arith.constant 1 : i32
    "tpu.region"() ({
      %run_scoped3A_86 = tpu.sem_alloc : memref<!tpu.dma_semaphore, #tpu.memory_space<semaphore_mem>>
      %dma_start3A_87 = arith.constant 0 : i32
      %dma_start3A_88 = arith.constant 0 : i32
      %dma_start3A_89 = tpu.memref_slice %arg5[%add3A, %run_scoped3A_39, %dma_start3A_87, %dma_start3A_88] : memref<32x2x156x32xi32, #tpu.memory_space<hbm>> -> memref<1x1x156x32xi32, #tpu.memory_space<hbm>>
      %dma_start3A_90 = tpu.memref_squeeze %dma_start3A_89 : memref<1x1x156x32xi32, #tpu.memory_space<hbm>> -> memref<156x32xi32, #tpu.memory_space<hbm>>
      %dma_start3A_91 = arith.constant 0 : i32
      %dma_start3A_92 = arith.constant 0 : i32
      %dma_start3A_93 = tpu.memref_slice %arg5[%add3A, %run_scoped3A_39, %dma_start3A_91, %dma_start3A_92] : memref<32x2x156x32xi32, #tpu.memory_space<hbm>> -> memref<1x1x156x32xi32, #tpu.memory_space<hbm>>
      %dma_start3A_94 = tpu.memref_squeeze %dma_start3A_93 : memref<1x1x156x32xi32, #tpu.memory_space<hbm>> -> memref<156x32xi32, #tpu.memory_space<hbm>>
      tpu.enqueue_dma source(%dma_start3A_94 : memref<156x32xi32, #tpu.memory_space<hbm>>) target(%arg10 : memref<156x32xi32, #tpu.memory_space<vmem>>) target_semaphore(%run_scoped3A_86 : memref<!tpu.dma_semaphore, #tpu.memory_space<semaphore_mem>>)
      %dma_wait3A = arith.constant 0 : i32
      %dma_wait3A_95 = arith.constant 0 : i32
      %dma_wait3A_96 = tpu.memref_slice %arg5[%add3A, %run_scoped3A_39, %dma_wait3A, %dma_wait3A_95] : memref<32x2x156x32xi32, #tpu.memory_space<hbm>> -> memref<1x1x156x32xi32, #tpu.memory_space<hbm>>
      %dma_wait3A_97 = tpu.memref_squeeze %dma_wait3A_96 : memref<1x1x156x32xi32, #tpu.memory_space<hbm>> -> memref<156x32xi32, #tpu.memory_space<hbm>>
      %dma_wait3A_98 = arith.constant 0 : i32
      %dma_wait3A_99 = arith.constant 0 : i32
      %dma_wait3A_100 = tpu.memref_slice %arg5[%add3A, %run_scoped3A_39, %dma_wait3A_98, %dma_wait3A_99] : memref<32x2x156x32xi32, #tpu.memory_space<hbm>> -> memref<1x1x156x32xi32, #tpu.memory_space<hbm>>
      %dma_wait3A_101 = tpu.memref_squeeze %dma_wait3A_100 : memref<1x1x156x32xi32, #tpu.memory_space<hbm>> -> memref<156x32xi32, #tpu.memory_space<hbm>>
      tpu.wait_dma2 semaphore(%run_scoped3A_86 : memref<!tpu.dma_semaphore, #tpu.memory_space<semaphore_mem>>) src(%dma_wait3A_101 : memref<156x32xi32, #tpu.memory_space<hbm>>) dst(%arg10 : memref<156x32xi32, #tpu.memory_space<vmem>>)
      tpu.yield
    }) : () -> ()
    %dma_start3A_40 = arith.constant 0 : i32
    %dma_start3A_41 = tpu.memref_slice %arg9[%dma_start3A_40] : memref<4992xi32, #tpu.memory_space<vmem>> -> memref<32xi32, #tpu.memory_space<vmem>>
    %dma_start3A_42 = arith.constant 0 : i32
    %dma_start3A_43 = arith.constant 0 : i32
    %dma_start3A_44 = tpu.memref_slice %arg2[%dma_start3A_42, %dma_start3A_43] : memref<10000x128xf32, #tpu.memory_space<hbm>> -> memref<10000x128xf32, #tpu.memory_space<hbm>>
    tpu.enqueue_indirect_dma source(%dma_start3A_44 : memref<10000x128xf32, #tpu.memory_space<hbm>>) target(%arg13 : memref<32x128xf32, #tpu.memory_space<vmem>>) offsets(%dma_start3A_41 : memref<32xi32, #tpu.memory_space<vmem>>) semaphore(%arg20 : memref<!tpu.dma_semaphore, #tpu.memory_space<semaphore_mem>>)
    %dma_start3A_45 = arith.constant 32 : i32
    %dma_start3A_46 = tpu.memref_slice %arg9[%dma_start3A_45] : memref<4992xi32, #tpu.memory_space<vmem>> -> memref<32xi32, #tpu.memory_space<vmem>>
    %dma_start3A_47 = arith.constant 0 : i32
    %dma_start3A_48 = arith.constant 0 : i32
    %dma_start3A_49 = tpu.memref_slice %arg2[%dma_start3A_47, %dma_start3A_48] : memref<10000x128xf32, #tpu.memory_space<hbm>> -> memref<10000x128xf32, #tpu.memory_space<hbm>>
    tpu.enqueue_indirect_dma source(%dma_start3A_49 : memref<10000x128xf32, #tpu.memory_space<hbm>>) target(%arg14 : memref<32x128xf32, #tpu.memory_space<vmem>>) offsets(%dma_start3A_46 : memref<32xi32, #tpu.memory_space<vmem>>) semaphore(%arg21 : memref<!tpu.dma_semaphore, #tpu.memory_space<semaphore_mem>>)
    %dma_start3A_50 = arith.constant 64 : i32
    %dma_start3A_51 = tpu.memref_slice %arg9[%dma_start3A_50] : memref<4992xi32, #tpu.memory_space<vmem>> -> memref<32xi32, #tpu.memory_space<vmem>>
    %dma_start3A_52 = arith.constant 0 : i32
    %dma_start3A_53 = arith.constant 0 : i32
    %dma_start3A_54 = tpu.memref_slice %arg2[%dma_start3A_52, %dma_start3A_53] : memref<10000x128xf32, #tpu.memory_space<hbm>> -> memref<10000x128xf32, #tpu.memory_space<hbm>>
    tpu.enqueue_indirect_dma source(%dma_start3A_54 : memref<10000x128xf32, #tpu.memory_space<hbm>>) target(%arg15 : memref<32x128xf32, #tpu.memory_space<vmem>>) offsets(%dma_start3A_51 : memref<32xi32, #tpu.memory_space<vmem>>) semaphore(%arg22 : memref<!tpu.dma_semaphore, #tpu.memory_space<semaphore_mem>>)
    %dma_start3A_55 = arith.constant 96 : i32
    %dma_start3A_56 = tpu.memref_slice %arg9[%dma_start3A_55] : memref<4992xi32, #tpu.memory_space<vmem>> -> memref<32xi32, #tpu.memory_space<vmem>>
    %dma_start3A_57 = arith.constant 0 : i32
    %dma_start3A_58 = arith.constant 0 : i32
    %dma_start3A_59 = tpu.memref_slice %arg2[%dma_start3A_57, %dma_start3A_58] : memref<10000x128xf32, #tpu.memory_space<hbm>> -> memref<10000x128xf32, #tpu.memory_space<hbm>>
    tpu.enqueue_indirect_dma source(%dma_start3A_59 : memref<10000x128xf32, #tpu.memory_space<hbm>>) target(%arg16 : memref<32x128xf32, #tpu.memory_space<vmem>>) offsets(%dma_start3A_56 : memref<32xi32, #tpu.memory_space<vmem>>) semaphore(%arg23 : memref<!tpu.dma_semaphore, #tpu.memory_space<semaphore_mem>>)
    %dma_start3A_60 = arith.constant 128 : i32
    %dma_start3A_61 = tpu.memref_slice %arg9[%dma_start3A_60] : memref<4992xi32, #tpu.memory_space<vmem>> -> memref<32xi32, #tpu.memory_space<vmem>>
    %dma_start3A_62 = arith.constant 0 : i32
    %dma_start3A_63 = arith.constant 0 : i32
    %dma_start3A_64 = tpu.memref_slice %arg2[%dma_start3A_62, %dma_start3A_63] : memref<10000x128xf32, #tpu.memory_space<hbm>> -> memref<10000x128xf32, #tpu.memory_space<hbm>>
    tpu.enqueue_indirect_dma source(%dma_start3A_64 : memref<10000x128xf32, #tpu.memory_space<hbm>>) target(%arg17 : memref<32x128xf32, #tpu.memory_space<vmem>>) offsets(%dma_start3A_61 : memref<32xi32, #tpu.memory_space<vmem>>) semaphore(%arg24 : memref<!tpu.dma_semaphore, #tpu.memory_space<semaphore_mem>>)
    %dma_start3A_65 = arith.constant 160 : i32
    %dma_start3A_66 = tpu.memref_slice %arg9[%dma_start3A_65] : memref<4992xi32, #tpu.memory_space<vmem>> -> memref<32xi32, #tpu.memory_space<vmem>>
    %dma_start3A_67 = arith.constant 0 : i32
    %dma_start3A_68 = arith.constant 0 : i32
    %dma_start3A_69 = tpu.memref_slice %arg2[%dma_start3A_67, %dma_start3A_68] : memref<10000x128xf32, #tpu.memory_space<hbm>> -> memref<10000x128xf32, #tpu.memory_space<hbm>>
    tpu.enqueue_indirect_dma source(%dma_start3A_69 : memref<10000x128xf32, #tpu.memory_space<hbm>>) target(%arg18 : memref<32x128xf32, #tpu.memory_space<vmem>>) offsets(%dma_start3A_66 : memref<32xi32, #tpu.memory_space<vmem>>) semaphore(%arg25 : memref<!tpu.dma_semaphore, #tpu.memory_space<semaphore_mem>>)
    %scan3A_70 = arith.constant 0 : i32
    %scan3A_71 = arith.constant 0 : i32
    %scan3A_72 = arith.constant 26 : i32
    %scan3A_73 = arith.addi %scan3A_71, %scan3A_72 : i32
    %scan3A_74 = arith.constant 1 : i32
    scf.for %scan3A_86 = %scan3A_71 to %scan3A_73 step %scan3A_74  : i32 {
      %mul3A_87 = arith.constant 6 : i32
      %mul3A_88 = arith.muli %mul3A_87, %scan3A_86 : i32
      %add3A_89 = arith.constant 0 : i32
      %add3A_90 = arith.addi %mul3A_88, %add3A_89 : i32
      %mul3A_91 = arith.constant 32 : i32
      %mul3A_92 = arith.muli %add3A_90, %mul3A_91 : i32
      %dma_wait3A = tpu.memref_slice %arg9[%mul3A_92] : memref<4992xi32, #tpu.memory_space<vmem>> -> memref<32xi32, #tpu.memory_space<vmem>>
      %dma_wait3A_93 = arith.constant 0 : i32
      %dma_wait3A_94 = arith.constant 0 : i32
      %dma_wait3A_95 = tpu.memref_slice %arg2[%dma_wait3A_93, %dma_wait3A_94] : memref<10000x128xf32, #tpu.memory_space<hbm>> -> memref<10000x128xf32, #tpu.memory_space<hbm>>
      tpu.wait_indirect_dma semaphore(%arg20 : memref<!tpu.dma_semaphore, #tpu.memory_space<semaphore_mem>>) src(%dma_wait3A_95 : memref<10000x128xf32, #tpu.memory_space<hbm>>) dst(%arg13 : memref<32x128xf32, #tpu.memory_space<vmem>>)
      %add3A_96 = arith.constant 0 : i32
      %add3A_97 = arith.addi %mul3A_88, %add3A_96 : i32
      %dma_start3A_98 = arith.constant 0 : i32
      %dma_start3A_99 = tpu.memref_slice %arg10[%add3A_97, %dma_start3A_98] : memref<156x32xi32, #tpu.memory_space<vmem>> -> memref<1x32xi32, #tpu.memory_space<vmem>>
      %dma_start3A_100 = tpu.memref_squeeze %dma_start3A_99 : memref<1x32xi32, #tpu.memory_space<vmem>> -> memref<32xi32, #tpu.memory_space<vmem>>
      %dma_start3A_101 = arith.constant 0 : i32
      %dma_start3A_102 = arith.constant 0 : i32
      %dma_start3A_103 = tpu.memref_slice %arg19[%dma_start3A_101, %dma_start3A_102] : memref<10000x128xf32, #tpu.memory_space<vmem_shared>> -> memref<10000x128xf32, #tpu.memory_space<vmem_shared>>
      tpu.enqueue_indirect_dma source(%arg13 : memref<32x128xf32, #tpu.memory_space<vmem>>) target(%dma_start3A_103 : memref<10000x128xf32, #tpu.memory_space<vmem_shared>>) offsets(%dma_start3A_100 : memref<32xi32, #tpu.memory_space<vmem>>) semaphore(%arg26 : memref<!tpu.dma_semaphore, #tpu.memory_space<semaphore_mem>>) {add = true}
      %add3A_104 = arith.constant 1 : i32
      %add3A_105 = arith.addi %mul3A_88, %add3A_104 : i32
      %mul3A_106 = arith.constant 32 : i32
      %mul3A_107 = arith.muli %add3A_105, %mul3A_106 : i32
      %dma_wait3A_108 = tpu.memref_slice %arg9[%mul3A_107] : memref<4992xi32, #tpu.memory_space<vmem>> -> memref<32xi32, #tpu.memory_space<vmem>>
      %dma_wait3A_109 = arith.constant 0 : i32
      %dma_wait3A_110 = arith.constant 0 : i32
      %dma_wait3A_111 = tpu.memref_slice %arg2[%dma_wait3A_109, %dma_wait3A_110] : memref<10000x128xf32, #tpu.memory_space<hbm>> -> memref<10000x128xf32, #tpu.memory_space<hbm>>
      tpu.wait_indirect_dma semaphore(%arg21 : memref<!tpu.dma_semaphore, #tpu.memory_space<semaphore_mem>>) src(%dma_wait3A_111 : memref<10000x128xf32, #tpu.memory_space<hbm>>) dst(%arg14 : memref<32x128xf32, #tpu.memory_space<vmem>>)
      %add3A_112 = arith.constant 1 : i32
      %add3A_113 = arith.addi %mul3A_88, %add3A_112 : i32
      %dma_start3A_114 = arith.constant 0 : i32
      %dma_start3A_115 = tpu.memref_slice %arg10[%add3A_113, %dma_start3A_114] : memref<156x32xi32, #tpu.memory_space<vmem>> -> memref<1x32xi32, #tpu.memory_space<vmem>>
      %dma_start3A_116 = tpu.memref_squeeze %dma_start3A_115 : memref<1x32xi32, #tpu.memory_space<vmem>> -> memref<32xi32, #tpu.memory_space<vmem>>
      %dma_start3A_117 = arith.constant 0 : i32
      %dma_start3A_118 = arith.constant 0 : i32
      %dma_start3A_119 = tpu.memref_slice %arg19[%dma_start3A_117, %dma_start3A_118] : memref<10000x128xf32, #tpu.memory_space<vmem_shared>> -> memref<10000x128xf32, #tpu.memory_space<vmem_shared>>
      tpu.enqueue_indirect_dma source(%arg14 : memref<32x128xf32, #tpu.memory_space<vmem>>) target(%dma_start3A_119 : memref<10000x128xf32, #tpu.memory_space<vmem_shared>>) offsets(%dma_start3A_116 : memref<32xi32, #tpu.memory_space<vmem>>) semaphore(%arg27 : memref<!tpu.dma_semaphore, #tpu.memory_space<semaphore_mem>>) {add = true}
      %add3A_120 = arith.constant 2 : i32
      %add3A_121 = arith.addi %mul3A_88, %add3A_120 : i32
      %mul3A_122 = arith.constant 32 : i32
      %mul3A_123 = arith.muli %add3A_121, %mul3A_122 : i32
      %dma_wait3A_124 = tpu.memref_slice %arg9[%mul3A_123] : memref<4992xi32, #tpu.memory_space<vmem>> -> memref<32xi32, #tpu.memory_space<vmem>>
      %dma_wait3A_125 = arith.constant 0 : i32
      %dma_wait3A_126 = arith.constant 0 : i32
      %dma_wait3A_127 = tpu.memref_slice %arg2[%dma_wait3A_125, %dma_wait3A_126] : memref<10000x128xf32, #tpu.memory_space<hbm>> -> memref<10000x128xf32, #tpu.memory_space<hbm>>
      tpu.wait_indirect_dma semaphore(%arg22 : memref<!tpu.dma_semaphore, #tpu.memory_space<semaphore_mem>>) src(%dma_wait3A_127 : memref<10000x128xf32, #tpu.memory_space<hbm>>) dst(%arg15 : memref<32x128xf32, #tpu.memory_space<vmem>>)
      %add3A_128 = arith.constant 2 : i32
      %add3A_129 = arith.addi %mul3A_88, %add3A_128 : i32
      %dma_start3A_130 = arith.constant 0 : i32
      %dma_start3A_131 = tpu.memref_slice %arg10[%add3A_129, %dma_start3A_130] : memref<156x32xi32, #tpu.memory_space<vmem>> -> memref<1x32xi32, #tpu.memory_space<vmem>>
      %dma_start3A_132 = tpu.memref_squeeze %dma_start3A_131 : memref<1x32xi32, #tpu.memory_space<vmem>> -> memref<32xi32, #tpu.memory_space<vmem>>
      %dma_start3A_133 = arith.constant 0 : i32
      %dma_start3A_134 = arith.constant 0 : i32
      %dma_start3A_135 = tpu.memref_slice %arg19[%dma_start3A_133, %dma_start3A_134] : memref<10000x128xf32, #tpu.memory_space<vmem_shared>> -> memref<10000x128xf32, #tpu.memory_space<vmem_shared>>
      tpu.enqueue_indirect_dma source(%arg15 : memref<32x128xf32, #tpu.memory_space<vmem>>) target(%dma_start3A_135 : memref<10000x128xf32, #tpu.memory_space<vmem_shared>>) offsets(%dma_start3A_132 : memref<32xi32, #tpu.memory_space<vmem>>) semaphore(%arg28 : memref<!tpu.dma_semaphore, #tpu.memory_space<semaphore_mem>>) {add = true}
      %add3A_136 = arith.constant 3 : i32
      %add3A_137 = arith.addi %mul3A_88, %add3A_136 : i32
      %mul3A_138 = arith.constant 32 : i32
      %mul3A_139 = arith.muli %add3A_137, %mul3A_138 : i32
      %dma_wait3A_140 = tpu.memref_slice %arg9[%mul3A_139] : memref<4992xi32, #tpu.memory_space<vmem>> -> memref<32xi32, #tpu.memory_space<vmem>>
      %dma_wait3A_141 = arith.constant 0 : i32
      %dma_wait3A_142 = arith.constant 0 : i32
      %dma_wait3A_143 = tpu.memref_slice %arg2[%dma_wait3A_141, %dma_wait3A_142] : memref<10000x128xf32, #tpu.memory_space<hbm>> -> memref<10000x128xf32, #tpu.memory_space<hbm>>
      tpu.wait_indirect_dma semaphore(%arg23 : memref<!tpu.dma_semaphore, #tpu.memory_space<semaphore_mem>>) src(%dma_wait3A_143 : memref<10000x128xf32, #tpu.memory_space<hbm>>) dst(%arg16 : memref<32x128xf32, #tpu.memory_space<vmem>>)
      %add3A_144 = arith.constant 3 : i32
      %add3A_145 = arith.addi %mul3A_88, %add3A_144 : i32
      %dma_start3A_146 = arith.constant 0 : i32
      %dma_start3A_147 = tpu.memref_slice %arg10[%add3A_145, %dma_start3A_146] : memref<156x32xi32, #tpu.memory_space<vmem>> -> memref<1x32xi32, #tpu.memory_space<vmem>>
      %dma_start3A_148 = tpu.memref_squeeze %dma_start3A_147 : memref<1x32xi32, #tpu.memory_space<vmem>> -> memref<32xi32, #tpu.memory_space<vmem>>
      %dma_start3A_149 = arith.constant 0 : i32
      %dma_start3A_150 = arith.constant 0 : i32
      %dma_start3A_151 = tpu.memref_slice %arg19[%dma_start3A_149, %dma_start3A_150] : memref<10000x128xf32, #tpu.memory_space<vmem_shared>> -> memref<10000x128xf32, #tpu.memory_space<vmem_shared>>
      tpu.enqueue_indirect_dma source(%arg16 : memref<32x128xf32, #tpu.memory_space<vmem>>) target(%dma_start3A_151 : memref<10000x128xf32, #tpu.memory_space<vmem_shared>>) offsets(%dma_start3A_148 : memref<32xi32, #tpu.memory_space<vmem>>) semaphore(%arg29 : memref<!tpu.dma_semaphore, #tpu.memory_space<semaphore_mem>>) {add = true}
      %add3A_152 = arith.constant 4 : i32
      %add3A_153 = arith.addi %mul3A_88, %add3A_152 : i32
      %mul3A_154 = arith.constant 32 : i32
      %mul3A_155 = arith.muli %add3A_153, %mul3A_154 : i32
      %dma_wait3A_156 = tpu.memref_slice %arg9[%mul3A_155] : memref<4992xi32, #tpu.memory_space<vmem>> -> memref<32xi32, #tpu.memory_space<vmem>>
      %dma_wait3A_157 = arith.constant 0 : i32
      %dma_wait3A_158 = arith.constant 0 : i32
      %dma_wait3A_159 = tpu.memref_slice %arg2[%dma_wait3A_157, %dma_wait3A_158] : memref<10000x128xf32, #tpu.memory_space<hbm>> -> memref<10000x128xf32, #tpu.memory_space<hbm>>
      tpu.wait_indirect_dma semaphore(%arg24 : memref<!tpu.dma_semaphore, #tpu.memory_space<semaphore_mem>>) src(%dma_wait3A_159 : memref<10000x128xf32, #tpu.memory_space<hbm>>) dst(%arg17 : memref<32x128xf32, #tpu.memory_space<vmem>>)
      %add3A_160 = arith.constant 4 : i32
      %add3A_161 = arith.addi %mul3A_88, %add3A_160 : i32
      %dma_start3A_162 = arith.constant 0 : i32
      %dma_start3A_163 = tpu.memref_slice %arg10[%add3A_161, %dma_start3A_162] : memref<156x32xi32, #tpu.memory_space<vmem>> -> memref<1x32xi32, #tpu.memory_space<vmem>>
      %dma_start3A_164 = tpu.memref_squeeze %dma_start3A_163 : memref<1x32xi32, #tpu.memory_space<vmem>> -> memref<32xi32, #tpu.memory_space<vmem>>
      %dma_start3A_165 = arith.constant 0 : i32
      %dma_start3A_166 = arith.constant 0 : i32
      %dma_start3A_167 = tpu.memref_slice %arg19[%dma_start3A_165, %dma_start3A_166] : memref<10000x128xf32, #tpu.memory_space<vmem_shared>> -> memref<10000x128xf32, #tpu.memory_space<vmem_shared>>
      tpu.enqueue_indirect_dma source(%arg17 : memref<32x128xf32, #tpu.memory_space<vmem>>) target(%dma_start3A_167 : memref<10000x128xf32, #tpu.memory_space<vmem_shared>>) offsets(%dma_start3A_164 : memref<32xi32, #tpu.memory_space<vmem>>) semaphore(%arg30 : memref<!tpu.dma_semaphore, #tpu.memory_space<semaphore_mem>>) {add = true}
      %add3A_168 = arith.constant 5 : i32
      %add3A_169 = arith.addi %mul3A_88, %add3A_168 : i32
      %mul3A_170 = arith.constant 32 : i32
      %mul3A_171 = arith.muli %add3A_169, %mul3A_170 : i32
      %dma_wait3A_172 = tpu.memref_slice %arg9[%mul3A_171] : memref<4992xi32, #tpu.memory_space<vmem>> -> memref<32xi32, #tpu.memory_space<vmem>>
      %dma_wait3A_173 = arith.constant 0 : i32
      %dma_wait3A_174 = arith.constant 0 : i32
      %dma_wait3A_175 = tpu.memref_slice %arg2[%dma_wait3A_173, %dma_wait3A_174] : memref<10000x128xf32, #tpu.memory_space<hbm>> -> memref<10000x128xf32, #tpu.memory_space<hbm>>
      tpu.wait_indirect_dma semaphore(%arg25 : memref<!tpu.dma_semaphore, #tpu.memory_space<semaphore_mem>>) src(%dma_wait3A_175 : memref<10000x128xf32, #tpu.memory_space<hbm>>) dst(%arg18 : memref<32x128xf32, #tpu.memory_space<vmem>>)
      %add3A_176 = arith.constant 5 : i32
      %add3A_177 = arith.addi %mul3A_88, %add3A_176 : i32
      %dma_start3A_178 = arith.constant 0 : i32
      %dma_start3A_179 = tpu.memref_slice %arg10[%add3A_177, %dma_start3A_178] : memref<156x32xi32, #tpu.memory_space<vmem>> -> memref<1x32xi32, #tpu.memory_space<vmem>>
      %dma_start3A_180 = tpu.memref_squeeze %dma_start3A_179 : memref<1x32xi32, #tpu.memory_space<vmem>> -> memref<32xi32, #tpu.memory_space<vmem>>
      %dma_start3A_181 = arith.constant 0 : i32
      %dma_start3A_182 = arith.constant 0 : i32
      %dma_start3A_183 = tpu.memref_slice %arg19[%dma_start3A_181, %dma_start3A_182] : memref<10000x128xf32, #tpu.memory_space<vmem_shared>> -> memref<10000x128xf32, #tpu.memory_space<vmem_shared>>
      tpu.enqueue_indirect_dma source(%arg18 : memref<32x128xf32, #tpu.memory_space<vmem>>) target(%dma_start3A_183 : memref<10000x128xf32, #tpu.memory_space<vmem_shared>>) offsets(%dma_start3A_180 : memref<32xi32, #tpu.memory_space<vmem>>) semaphore(%arg31 : memref<!tpu.dma_semaphore, #tpu.memory_space<semaphore_mem>>) {add = true}
      %add3A_184 = arith.constant 0 : i32
      %add3A_185 = arith.addi %mul3A_88, %add3A_184 : i32
      %dma_wait3A_186 = arith.constant 0 : i32
      %dma_wait3A_187 = tpu.memref_slice %arg10[%add3A_185, %dma_wait3A_186] : memref<156x32xi32, #tpu.memory_space<vmem>> -> memref<1x32xi32, #tpu.memory_space<vmem>>
      %dma_wait3A_188 = tpu.memref_squeeze %dma_wait3A_187 : memref<1x32xi32, #tpu.memory_space<vmem>> -> memref<32xi32, #tpu.memory_space<vmem>>
      %dma_wait3A_189 = arith.constant 0 : i32
      %dma_wait3A_190 = arith.constant 0 : i32
      %dma_wait3A_191 = tpu.memref_slice %arg19[%dma_wait3A_189, %dma_wait3A_190] : memref<10000x128xf32, #tpu.memory_space<vmem_shared>> -> memref<10000x128xf32, #tpu.memory_space<vmem_shared>>
      tpu.wait_indirect_dma semaphore(%arg26 : memref<!tpu.dma_semaphore, #tpu.memory_space<semaphore_mem>>) src(%arg13 : memref<32x128xf32, #tpu.memory_space<vmem>>) dst(%dma_wait3A_191 : memref<10000x128xf32, #tpu.memory_space<vmem_shared>>)
      %add3A_192 = arith.constant 6 : i32
      %add3A_193 = arith.addi %mul3A_88, %add3A_192 : i32
      %add3A_194 = arith.constant 0 : i32
      %add3A_195 = arith.addi %add3A_193, %add3A_194 : i32
      %lt3A = arith.constant 156 : i32
      %lt3A_196 = arith.cmpi slt, %add3A_195, %lt3A : i32
      %convert_element_type3A_197 = arith.extui %lt3A_196 : i1 to i32
      %cond3A_198 = arith.constant 0 : i32
      %cond3A_199 = arith.cmpi ne, %convert_element_type3A_197, %cond3A_198 : i32
      scf.if %cond3A_199 {
        %add3A_285 = arith.constant 6 : i32
        %add3A_286 = arith.addi %mul3A_88, %add3A_285 : i32
        %add3A_287 = arith.constant 0 : i32
        %add3A_288 = arith.addi %add3A_286, %add3A_287 : i32
        %mul3A_289 = arith.constant 32 : i32
        %mul3A_290 = arith.muli %add3A_288, %mul3A_289 : i32
        %dma_start3A_291 = tpu.memref_slice %arg9[%mul3A_290] : memref<4992xi32, #tpu.memory_space<vmem>> -> memref<32xi32, #tpu.memory_space<vmem>>
        %dma_start3A_292 = arith.constant 0 : i32
        %dma_start3A_293 = arith.constant 0 : i32
        %dma_start3A_294 = tpu.memref_slice %arg2[%dma_start3A_292, %dma_start3A_293] : memref<10000x128xf32, #tpu.memory_space<hbm>> -> memref<10000x128xf32, #tpu.memory_space<hbm>>
        tpu.enqueue_indirect_dma source(%dma_start3A_294 : memref<10000x128xf32, #tpu.memory_space<hbm>>) target(%arg13 : memref<32x128xf32, #tpu.memory_space<vmem>>) offsets(%dma_start3A_291 : memref<32xi32, #tpu.memory_space<vmem>>) semaphore(%arg20 : memref<!tpu.dma_semaphore, #tpu.memory_space<semaphore_mem>>)
      } else {
      }
      %add3A_200 = arith.constant 1 : i32
      %add3A_201 = arith.addi %mul3A_88, %add3A_200 : i32
      %dma_wait3A_202 = arith.constant 0 : i32
      %dma_wait3A_203 = tpu.memref_slice %arg10[%add3A_201, %dma_wait3A_202] : memref<156x32xi32, #tpu.memory_space<vmem>> -> memref<1x32xi32, #tpu.memory_space<vmem>>
      %dma_wait3A_204 = tpu.memref_squeeze %dma_wait3A_203 : memref<1x32xi32, #tpu.memory_space<vmem>> -> memref<32xi32, #tpu.memory_space<vmem>>
      %dma_wait3A_205 = arith.constant 0 : i32
      %dma_wait3A_206 = arith.constant 0 : i32
      %dma_wait3A_207 = tpu.memref_slice %arg19[%dma_wait3A_205, %dma_wait3A_206] : memref<10000x128xf32, #tpu.memory_space<vmem_shared>> -> memref<10000x128xf32, #tpu.memory_space<vmem_shared>>
      tpu.wait_indirect_dma semaphore(%arg27 : memref<!tpu.dma_semaphore, #tpu.memory_space<semaphore_mem>>) src(%arg14 : memref<32x128xf32, #tpu.memory_space<vmem>>) dst(%dma_wait3A_207 : memref<10000x128xf32, #tpu.memory_space<vmem_shared>>)
      %add3A_208 = arith.constant 6 : i32
      %add3A_209 = arith.addi %mul3A_88, %add3A_208 : i32
      %add3A_210 = arith.constant 1 : i32
      %add3A_211 = arith.addi %add3A_209, %add3A_210 : i32
      %lt3A_212 = arith.constant 156 : i32
      %lt3A_213 = arith.cmpi slt, %add3A_211, %lt3A_212 : i32
      %convert_element_type3A_214 = arith.extui %lt3A_213 : i1 to i32
      %cond3A_215 = arith.constant 0 : i32
      %cond3A_216 = arith.cmpi ne, %convert_element_type3A_214, %cond3A_215 : i32
      scf.if %cond3A_216 {
        %add3A_285 = arith.constant 6 : i32
        %add3A_286 = arith.addi %mul3A_88, %add3A_285 : i32
        %add3A_287 = arith.constant 1 : i32
        %add3A_288 = arith.addi %add3A_286, %add3A_287 : i32
        %mul3A_289 = arith.constant 32 : i32
        %mul3A_290 = arith.muli %add3A_288, %mul3A_289 : i32
        %dma_start3A_291 = tpu.memref_slice %arg9[%mul3A_290] : memref<4992xi32, #tpu.memory_space<vmem>> -> memref<32xi32, #tpu.memory_space<vmem>>
        %dma_start3A_292 = arith.constant 0 : i32
        %dma_start3A_293 = arith.constant 0 : i32
        %dma_start3A_294 = tpu.memref_slice %arg2[%dma_start3A_292, %dma_start3A_293] : memref<10000x128xf32, #tpu.memory_space<hbm>> -> memref<10000x128xf32, #tpu.memory_space<hbm>>
        tpu.enqueue_indirect_dma source(%dma_start3A_294 : memref<10000x128xf32, #tpu.memory_space<hbm>>) target(%arg14 : memref<32x128xf32, #tpu.memory_space<vmem>>) offsets(%dma_start3A_291 : memref<32xi32, #tpu.memory_space<vmem>>) semaphore(%arg21 : memref<!tpu.dma_semaphore, #tpu.memory_space<semaphore_mem>>)
      } else {
      }
      %add3A_217 = arith.constant 2 : i32
      %add3A_218 = arith.addi %mul3A_88, %add3A_217 : i32
      %dma_wait3A_219 = arith.constant 0 : i32
      %dma_wait3A_220 = tpu.memref_slice %arg10[%add3A_218, %dma_wait3A_219] : memref<156x32xi32, #tpu.memory_space<vmem>> -> memref<1x32xi32, #tpu.memory_space<vmem>>
      %dma_wait3A_221 = tpu.memref_squeeze %dma_wait3A_220 : memref<1x32xi32, #tpu.memory_space<vmem>> -> memref<32xi32, #tpu.memory_space<vmem>>
      %dma_wait3A_222 = arith.constant 0 : i32
      %dma_wait3A_223 = arith.constant 0 : i32
      %dma_wait3A_224 = tpu.memref_slice %arg19[%dma_wait3A_222, %dma_wait3A_223] : memref<10000x128xf32, #tpu.memory_space<vmem_shared>> -> memref<10000x128xf32, #tpu.memory_space<vmem_shared>>
      tpu.wait_indirect_dma semaphore(%arg28 : memref<!tpu.dma_semaphore, #tpu.memory_space<semaphore_mem>>) src(%arg15 : memref<32x128xf32, #tpu.memory_space<vmem>>) dst(%dma_wait3A_224 : memref<10000x128xf32, #tpu.memory_space<vmem_shared>>)
      %add3A_225 = arith.constant 6 : i32
      %add3A_226 = arith.addi %mul3A_88, %add3A_225 : i32
      %add3A_227 = arith.constant 2 : i32
      %add3A_228 = arith.addi %add3A_226, %add3A_227 : i32
      %lt3A_229 = arith.constant 156 : i32
      %lt3A_230 = arith.cmpi slt, %add3A_228, %lt3A_229 : i32
      %convert_element_type3A_231 = arith.extui %lt3A_230 : i1 to i32
      %cond3A_232 = arith.constant 0 : i32
      %cond3A_233 = arith.cmpi ne, %convert_element_type3A_231, %cond3A_232 : i32
      scf.if %cond3A_233 {
        %add3A_285 = arith.constant 6 : i32
        %add3A_286 = arith.addi %mul3A_88, %add3A_285 : i32
        %add3A_287 = arith.constant 2 : i32
        %add3A_288 = arith.addi %add3A_286, %add3A_287 : i32
        %mul3A_289 = arith.constant 32 : i32
        %mul3A_290 = arith.muli %add3A_288, %mul3A_289 : i32
        %dma_start3A_291 = tpu.memref_slice %arg9[%mul3A_290] : memref<4992xi32, #tpu.memory_space<vmem>> -> memref<32xi32, #tpu.memory_space<vmem>>
        %dma_start3A_292 = arith.constant 0 : i32
        %dma_start3A_293 = arith.constant 0 : i32
        %dma_start3A_294 = tpu.memref_slice %arg2[%dma_start3A_292, %dma_start3A_293] : memref<10000x128xf32, #tpu.memory_space<hbm>> -> memref<10000x128xf32, #tpu.memory_space<hbm>>
        tpu.enqueue_indirect_dma source(%dma_start3A_294 : memref<10000x128xf32, #tpu.memory_space<hbm>>) target(%arg15 : memref<32x128xf32, #tpu.memory_space<vmem>>) offsets(%dma_start3A_291 : memref<32xi32, #tpu.memory_space<vmem>>) semaphore(%arg22 : memref<!tpu.dma_semaphore, #tpu.memory_space<semaphore_mem>>)
      } else {
      }
      %add3A_234 = arith.constant 3 : i32
      %add3A_235 = arith.addi %mul3A_88, %add3A_234 : i32
      %dma_wait3A_236 = arith.constant 0 : i32
      %dma_wait3A_237 = tpu.memref_slice %arg10[%add3A_235, %dma_wait3A_236] : memref<156x32xi32, #tpu.memory_space<vmem>> -> memref<1x32xi32, #tpu.memory_space<vmem>>
      %dma_wait3A_238 = tpu.memref_squeeze %dma_wait3A_237 : memref<1x32xi32, #tpu.memory_space<vmem>> -> memref<32xi32, #tpu.memory_space<vmem>>
      %dma_wait3A_239 = arith.constant 0 : i32
      %dma_wait3A_240 = arith.constant 0 : i32
      %dma_wait3A_241 = tpu.memref_slice %arg19[%dma_wait3A_239, %dma_wait3A_240] : memref<10000x128xf32, #tpu.memory_space<vmem_shared>> -> memref<10000x128xf32, #tpu.memory_space<vmem_shared>>
      tpu.wait_indirect_dma semaphore(%arg29 : memref<!tpu.dma_semaphore, #tpu.memory_space<semaphore_mem>>) src(%arg16 : memref<32x128xf32, #tpu.memory_space<vmem>>) dst(%dma_wait3A_241 : memref<10000x128xf32, #tpu.memory_space<vmem_shared>>)
      %add3A_242 = arith.constant 6 : i32
      %add3A_243 = arith.addi %mul3A_88, %add3A_242 : i32
      %add3A_244 = arith.constant 3 : i32
      %add3A_245 = arith.addi %add3A_243, %add3A_244 : i32
      %lt3A_246 = arith.constant 156 : i32
      %lt3A_247 = arith.cmpi slt, %add3A_245, %lt3A_246 : i32
      %convert_element_type3A_248 = arith.extui %lt3A_247 : i1 to i32
      %cond3A_249 = arith.constant 0 : i32
      %cond3A_250 = arith.cmpi ne, %convert_element_type3A_248, %cond3A_249 : i32
      scf.if %cond3A_250 {
        %add3A_285 = arith.constant 6 : i32
        %add3A_286 = arith.addi %mul3A_88, %add3A_285 : i32
        %add3A_287 = arith.constant 3 : i32
        %add3A_288 = arith.addi %add3A_286, %add3A_287 : i32
        %mul3A_289 = arith.constant 32 : i32
        %mul3A_290 = arith.muli %add3A_288, %mul3A_289 : i32
        %dma_start3A_291 = tpu.memref_slice %arg9[%mul3A_290] : memref<4992xi32, #tpu.memory_space<vmem>> -> memref<32xi32, #tpu.memory_space<vmem>>
        %dma_start3A_292 = arith.constant 0 : i32
        %dma_start3A_293 = arith.constant 0 : i32
        %dma_start3A_294 = tpu.memref_slice %arg2[%dma_start3A_292, %dma_start3A_293] : memref<10000x128xf32, #tpu.memory_space<hbm>> -> memref<10000x128xf32, #tpu.memory_space<hbm>>
        tpu.enqueue_indirect_dma source(%dma_start3A_294 : memref<10000x128xf32, #tpu.memory_space<hbm>>) target(%arg16 : memref<32x128xf32, #tpu.memory_space<vmem>>) offsets(%dma_start3A_291 : memref<32xi32, #tpu.memory_space<vmem>>) semaphore(%arg23 : memref<!tpu.dma_semaphore, #tpu.memory_space<semaphore_mem>>)
      } else {
      }
      %add3A_251 = arith.constant 4 : i32
      %add3A_252 = arith.addi %mul3A_88, %add3A_251 : i32
      %dma_wait3A_253 = arith.constant 0 : i32
      %dma_wait3A_254 = tpu.memref_slice %arg10[%add3A_252, %dma_wait3A_253] : memref<156x32xi32, #tpu.memory_space<vmem>> -> memref<1x32xi32, #tpu.memory_space<vmem>>
      %dma_wait3A_255 = tpu.memref_squeeze %dma_wait3A_254 : memref<1x32xi32, #tpu.memory_space<vmem>> -> memref<32xi32, #tpu.memory_space<vmem>>
      %dma_wait3A_256 = arith.constant 0 : i32
      %dma_wait3A_257 = arith.constant 0 : i32
      %dma_wait3A_258 = tpu.memref_slice %arg19[%dma_wait3A_256, %dma_wait3A_257] : memref<10000x128xf32, #tpu.memory_space<vmem_shared>> -> memref<10000x128xf32, #tpu.memory_space<vmem_shared>>
      tpu.wait_indirect_dma semaphore(%arg30 : memref<!tpu.dma_semaphore, #tpu.memory_space<semaphore_mem>>) src(%arg17 : memref<32x128xf32, #tpu.memory_space<vmem>>) dst(%dma_wait3A_258 : memref<10000x128xf32, #tpu.memory_space<vmem_shared>>)
      %add3A_259 = arith.constant 6 : i32
      %add3A_260 = arith.addi %mul3A_88, %add3A_259 : i32
      %add3A_261 = arith.constant 4 : i32
      %add3A_262 = arith.addi %add3A_260, %add3A_261 : i32
      %lt3A_263 = arith.constant 156 : i32
      %lt3A_264 = arith.cmpi slt, %add3A_262, %lt3A_263 : i32
      %convert_element_type3A_265 = arith.extui %lt3A_264 : i1 to i32
      %cond3A_266 = arith.constant 0 : i32
      %cond3A_267 = arith.cmpi ne, %convert_element_type3A_265, %cond3A_266 : i32
      scf.if %cond3A_267 {
        %add3A_285 = arith.constant 6 : i32
        %add3A_286 = arith.addi %mul3A_88, %add3A_285 : i32
        %add3A_287 = arith.constant 4 : i32
        %add3A_288 = arith.addi %add3A_286, %add3A_287 : i32
        %mul3A_289 = arith.constant 32 : i32
        %mul3A_290 = arith.muli %add3A_288, %mul3A_289 : i32
        %dma_start3A_291 = tpu.memref_slice %arg9[%mul3A_290] : memref<4992xi32, #tpu.memory_space<vmem>> -> memref<32xi32, #tpu.memory_space<vmem>>
        %dma_start3A_292 = arith.constant 0 : i32
        %dma_start3A_293 = arith.constant 0 : i32
        %dma_start3A_294 = tpu.memref_slice %arg2[%dma_start3A_292, %dma_start3A_293] : memref<10000x128xf32, #tpu.memory_space<hbm>> -> memref<10000x128xf32, #tpu.memory_space<hbm>>
        tpu.enqueue_indirect_dma source(%dma_start3A_294 : memref<10000x128xf32, #tpu.memory_space<hbm>>) target(%arg17 : memref<32x128xf32, #tpu.memory_space<vmem>>) offsets(%dma_start3A_291 : memref<32xi32, #tpu.memory_space<vmem>>) semaphore(%arg24 : memref<!tpu.dma_semaphore, #tpu.memory_space<semaphore_mem>>)
      } else {
      }
      %add3A_268 = arith.constant 5 : i32
      %add3A_269 = arith.addi %mul3A_88, %add3A_268 : i32
      %dma_wait3A_270 = arith.constant 0 : i32
      %dma_wait3A_271 = tpu.memref_slice %arg10[%add3A_269, %dma_wait3A_270] : memref<156x32xi32, #tpu.memory_space<vmem>> -> memref<1x32xi32, #tpu.memory_space<vmem>>
      %dma_wait3A_272 = tpu.memref_squeeze %dma_wait3A_271 : memref<1x32xi32, #tpu.memory_space<vmem>> -> memref<32xi32, #tpu.memory_space<vmem>>
      %dma_wait3A_273 = arith.constant 0 : i32
      %dma_wait3A_274 = arith.constant 0 : i32
      %dma_wait3A_275 = tpu.memref_slice %arg19[%dma_wait3A_273, %dma_wait3A_274] : memref<10000x128xf32, #tpu.memory_space<vmem_shared>> -> memref<10000x128xf32, #tpu.memory_space<vmem_shared>>
      tpu.wait_indirect_dma semaphore(%arg31 : memref<!tpu.dma_semaphore, #tpu.memory_space<semaphore_mem>>) src(%arg18 : memref<32x128xf32, #tpu.memory_space<vmem>>) dst(%dma_wait3A_275 : memref<10000x128xf32, #tpu.memory_space<vmem_shared>>)
      %add3A_276 = arith.constant 6 : i32
      %add3A_277 = arith.addi %mul3A_88, %add3A_276 : i32
      %add3A_278 = arith.constant 5 : i32
      %add3A_279 = arith.addi %add3A_277, %add3A_278 : i32
      %lt3A_280 = arith.constant 156 : i32
      %lt3A_281 = arith.cmpi slt, %add3A_279, %lt3A_280 : i32
      %convert_element_type3A_282 = arith.extui %lt3A_281 : i1 to i32
      %cond3A_283 = arith.constant 0 : i32
      %cond3A_284 = arith.cmpi ne, %convert_element_type3A_282, %cond3A_283 : i32
      scf.if %cond3A_284 {
        %add3A_285 = arith.constant 6 : i32
        %add3A_286 = arith.addi %mul3A_88, %add3A_285 : i32
        %add3A_287 = arith.constant 5 : i32
        %add3A_288 = arith.addi %add3A_286, %add3A_287 : i32
        %mul3A_289 = arith.constant 32 : i32
        %mul3A_290 = arith.muli %add3A_288, %mul3A_289 : i32
        %dma_start3A_291 = tpu.memref_slice %arg9[%mul3A_290] : memref<4992xi32, #tpu.memory_space<vmem>> -> memref<32xi32, #tpu.memory_space<vmem>>
        %dma_start3A_292 = arith.constant 0 : i32
        %dma_start3A_293 = arith.constant 0 : i32
        %dma_start3A_294 = tpu.memref_slice %arg2[%dma_start3A_292, %dma_start3A_293] : memref<10000x128xf32, #tpu.memory_space<hbm>> -> memref<10000x128xf32, #tpu.memory_space<hbm>>
        tpu.enqueue_indirect_dma source(%dma_start3A_294 : memref<10000x128xf32, #tpu.memory_space<hbm>>) target(%arg18 : memref<32x128xf32, #tpu.memory_space<vmem>>) offsets(%dma_start3A_291 : memref<32xi32, #tpu.memory_space<vmem>>) semaphore(%arg25 : memref<!tpu.dma_semaphore, #tpu.memory_space<semaphore_mem>>)
      } else {
      }
    }
    %scan3A_75 = arith.constant 26 : i32
    "tpu.region"() ({
      %run_scoped3A_86 = tpu.sem_alloc : memref<!tpu.dma_semaphore, #tpu.memory_space<semaphore_mem>>
      %dma_start3A_87 = arith.constant 0 : i32
      %dma_start3A_88 = arith.constant 0 : i32
      %dma_start3A_89 = tpu.memref_slice %arg13[%dma_start3A_87, %dma_start3A_88] : memref<32x128xf32, #tpu.memory_space<vmem>> -> memref<16x128xf32, #tpu.memory_space<vmem>>
      %dma_start3A_90 = arith.constant 0 : i32
      %dma_start3A_91 = arith.constant 0 : i32
      %dma_start3A_92 = tpu.memref_slice %arg2[%dma_start3A_90, %dma_start3A_91] : memref<10000x128xf32, #tpu.memory_space<hbm>> -> memref<10000x128xf32, #tpu.memory_space<hbm>>
      tpu.enqueue_indirect_dma source(%dma_start3A_92 : memref<10000x128xf32, #tpu.memory_space<hbm>>) target(%dma_start3A_89 : memref<16x128xf32, #tpu.memory_space<vmem>>) offsets(%arg11 : memref<16xi32, #tpu.memory_space<vmem>>) semaphore(%run_scoped3A_86 : memref<!tpu.dma_semaphore, #tpu.memory_space<semaphore_mem>>)
      %dma_wait3A = arith.constant 0 : i32
      %dma_wait3A_93 = arith.constant 0 : i32
      %dma_wait3A_94 = tpu.memref_slice %arg13[%dma_wait3A, %dma_wait3A_93] : memref<32x128xf32, #tpu.memory_space<vmem>> -> memref<16x128xf32, #tpu.memory_space<vmem>>
      %dma_wait3A_95 = arith.constant 0 : i32
      %dma_wait3A_96 = arith.constant 0 : i32
      %dma_wait3A_97 = tpu.memref_slice %arg2[%dma_wait3A_95, %dma_wait3A_96] : memref<10000x128xf32, #tpu.memory_space<hbm>> -> memref<10000x128xf32, #tpu.memory_space<hbm>>
      tpu.wait_indirect_dma semaphore(%run_scoped3A_86 : memref<!tpu.dma_semaphore, #tpu.memory_space<semaphore_mem>>) src(%dma_wait3A_97 : memref<10000x128xf32, #tpu.memory_space<hbm>>) dst(%dma_wait3A_94 : memref<16x128xf32, #tpu.memory_space<vmem>>)
      tpu.yield
    }) : () -> ()
    "tpu.region"() ({
      %run_scoped3A_86 = tpu.sem_alloc : memref<!tpu.dma_semaphore, #tpu.memory_space<semaphore_mem>>
      %dma_start3A_87 = arith.constant 0 : i32
      %dma_start3A_88 = arith.constant 0 : i32
      %dma_start3A_89 = tpu.memref_slice %arg13[%dma_start3A_87, %dma_start3A_88] : memref<32x128xf32, #tpu.memory_space<vmem>> -> memref<16x128xf32, #tpu.memory_space<vmem>>
      %dma_start3A_90 = arith.constant 0 : i32
      %dma_start3A_91 = arith.constant 0 : i32
      %dma_start3A_92 = tpu.memref_slice %arg19[%dma_start3A_90, %dma_start3A_91] : memref<10000x128xf32, #tpu.memory_space<vmem_shared>> -> memref<10000x128xf32, #tpu.memory_space<vmem_shared>>
      tpu.enqueue_indirect_dma source(%dma_start3A_89 : memref<16x128xf32, #tpu.memory_space<vmem>>) target(%dma_start3A_92 : memref<10000x128xf32, #tpu.memory_space<vmem_shared>>) offsets(%arg12 : memref<16xi32, #tpu.memory_space<vmem>>) semaphore(%run_scoped3A_86 : memref<!tpu.dma_semaphore, #tpu.memory_space<semaphore_mem>>) {add = true}
      %dma_wait3A = arith.constant 0 : i32
      %dma_wait3A_93 = arith.constant 0 : i32
      %dma_wait3A_94 = tpu.memref_slice %arg13[%dma_wait3A, %dma_wait3A_93] : memref<32x128xf32, #tpu.memory_space<vmem>> -> memref<16x128xf32, #tpu.memory_space<vmem>>
      %dma_wait3A_95 = arith.constant 0 : i32
      %dma_wait3A_96 = arith.constant 0 : i32
      %dma_wait3A_97 = tpu.memref_slice %arg19[%dma_wait3A_95, %dma_wait3A_96] : memref<10000x128xf32, #tpu.memory_space<vmem_shared>> -> memref<10000x128xf32, #tpu.memory_space<vmem_shared>>
      tpu.wait_indirect_dma semaphore(%run_scoped3A_86 : memref<!tpu.dma_semaphore, #tpu.memory_space<semaphore_mem>>) src(%dma_wait3A_94 : memref<16x128xf32, #tpu.memory_space<vmem>>) dst(%dma_wait3A_97 : memref<10000x128xf32, #tpu.memory_space<vmem_shared>>)
      tpu.yield
    }) : () -> ()
    %barrier3A_76 = arith.constant 0 : index
    tpu.barrier barrier_id(%barrier3A_76)
    %mul3A_77 = arith.constant 624 : i32
    %mul3A_78 = arith.muli %arg1, %mul3A_77 : i32
    %mul3A_79 = arith.constant 624 : i32
    %mul3A_80 = arith.muli %arg1, %mul3A_79 : i32
    "tpu.region"() ({
      %run_scoped3A_86 = tpu.sem_alloc : memref<!tpu.dma_semaphore, #tpu.memory_space<semaphore_mem>>
      %dma_start3A_87 = arith.constant 0 : i32
      %dma_start3A_88 = tpu.memref_slice %arg8[%arg0, %mul3A_80, %dma_start3A_87] : memref<2x10000x128xf32, #tpu.memory_space<hbm>> -> memref<1x624x128xf32, #tpu.memory_space<hbm>>
      %dma_start3A_89 = tpu.memref_squeeze %dma_start3A_88 : memref<1x624x128xf32, #tpu.memory_space<hbm>> -> memref<624x128xf32, #tpu.memory_space<hbm>>
      %dma_start3A_90 = arith.constant 0 : i32
      %dma_start3A_91 = tpu.memref_slice %arg19[%mul3A_78, %dma_start3A_90] : memref<10000x128xf32, #tpu.memory_space<vmem_shared>> -> memref<624x128xf32, #tpu.memory_space<vmem_shared>>
      tpu.enqueue_dma source(%dma_start3A_91 : memref<624x128xf32, #tpu.memory_space<vmem_shared>>) target(%dma_start3A_89 : memref<624x128xf32, #tpu.memory_space<hbm>>) target_semaphore(%run_scoped3A_86 : memref<!tpu.dma_semaphore, #tpu.memory_space<semaphore_mem>>)
      %dma_wait3A = arith.constant 0 : i32
      %dma_wait3A_92 = tpu.memref_slice %arg8[%arg0, %mul3A_80, %dma_wait3A] : memref<2x10000x128xf32, #tpu.memory_space<hbm>> -> memref<1x624x128xf32, #tpu.memory_space<hbm>>
      %dma_wait3A_93 = tpu.memref_squeeze %dma_wait3A_92 : memref<1x624x128xf32, #tpu.memory_space<hbm>> -> memref<624x128xf32, #tpu.memory_space<hbm>>
      %dma_wait3A_94 = arith.constant 0 : i32
      %dma_wait3A_95 = tpu.memref_slice %arg19[%mul3A_78, %dma_wait3A_94] : memref<10000x128xf32, #tpu.memory_space<vmem_shared>> -> memref<624x128xf32, #tpu.memory_space<vmem_shared>>
      tpu.wait_dma2 semaphore(%run_scoped3A_86 : memref<!tpu.dma_semaphore, #tpu.memory_space<semaphore_mem>>) src(%dma_wait3A_95 : memref<624x128xf32, #tpu.memory_space<vmem_shared>>) dst(%dma_wait3A_93 : memref<624x128xf32, #tpu.memory_space<hbm>>)
      tpu.yield
    }) : () -> ()
    %eq3A_81 = arith.constant 0 : i32
    %eq3A_82 = arith.cmpi eq, %arg1, %eq3A_81 : i32
    %convert_element_type3A_83 = arith.extui %eq3A_82 : i1 to i32
    %cond3A_84 = arith.constant 0 : i32
    %cond3A_85 = arith.cmpi ne, %convert_element_type3A_83, %cond3A_84 : i32
    scf.if %cond3A_85 {
      "tpu.region"() ({
        %run_scoped3A_86 = tpu.sem_alloc : memref<!tpu.dma_semaphore, #tpu.memory_space<semaphore_mem>>
        %dma_start3A_87 = arith.constant 9984 : i32
        %dma_start3A_88 = arith.constant 0 : i32
        %dma_start3A_89 = tpu.memref_slice %arg8[%arg0, %dma_start3A_87, %dma_start3A_88] : memref<2x10000x128xf32, #tpu.memory_space<hbm>> -> memref<1x16x128xf32, #tpu.memory_space<hbm>>
        %dma_start3A_90 = tpu.memref_squeeze %dma_start3A_89 : memref<1x16x128xf32, #tpu.memory_space<hbm>> -> memref<16x128xf32, #tpu.memory_space<hbm>>
        %dma_start3A_91 = arith.constant 9984 : i32
        %dma_start3A_92 = arith.constant 0 : i32
        %dma_start3A_93 = tpu.memref_slice %arg19[%dma_start3A_91, %dma_start3A_92] : memref<10000x128xf32, #tpu.memory_space<vmem_shared>> -> memref<16x128xf32, #tpu.memory_space<vmem_shared>>
        tpu.enqueue_dma source(%dma_start3A_93 : memref<16x128xf32, #tpu.memory_space<vmem_shared>>) target(%dma_start3A_90 : memref<16x128xf32, #tpu.memory_space<hbm>>) target_semaphore(%run_scoped3A_86 : memref<!tpu.dma_semaphore, #tpu.memory_space<semaphore_mem>>)
        %dma_wait3A = arith.constant 9984 : i32
        %dma_wait3A_94 = arith.constant 0 : i32
        %dma_wait3A_95 = tpu.memref_slice %arg8[%arg0, %dma_wait3A, %dma_wait3A_94] : memref<2x10000x128xf32, #tpu.memory_space<hbm>> -> memref<1x16x128xf32, #tpu.memory_space<hbm>>
        %dma_wait3A_96 = tpu.memref_squeeze %dma_wait3A_95 : memref<1x16x128xf32, #tpu.memory_space<hbm>> -> memref<16x128xf32, #tpu.memory_space<hbm>>
        %dma_wait3A_97 = arith.constant 9984 : i32
        %dma_wait3A_98 = arith.constant 0 : i32
        %dma_wait3A_99 = tpu.memref_slice %arg19[%dma_wait3A_97, %dma_wait3A_98] : memref<10000x128xf32, #tpu.memory_space<vmem_shared>> -> memref<16x128xf32, #tpu.memory_space<vmem_shared>>
        tpu.wait_dma2 semaphore(%run_scoped3A_86 : memref<!tpu.dma_semaphore, #tpu.memory_space<semaphore_mem>>) src(%dma_wait3A_99 : memref<16x128xf32, #tpu.memory_space<vmem_shared>>) dst(%dma_wait3A_96 : memref<16x128xf32, #tpu.memory_space<hbm>>)
        tpu.yield
      }) : () -> ()
    } else {
    }
    return
  }
}

module attributes {stable_mosaic.version = 14 : i64} {
  func.func @body(%arg0: i32, %arg1: memref<2000x128xf32, #tpu.memory_space<vmem>>, %arg2: memref<128x128xf32, #tpu.memory_space<vmem>>, %arg3: memref<1x128xf32, #tpu.memory_space<vmem>>, %arg4: memref<2000x128xf32, #tpu.memory_space<vmem>>) attributes {dimension_semantics = [#tpu.dimension_semantics<arbitrary>], iteration_bounds = array<i64: 5>, scalar_prefetch = 0 : i64, scratch_operands = 0 : i64, tpu.core_type = #tpu.core_type<tc>, window_params = [{transform_indices = @transform_0, window_bounds = array<i64: 2000, 128>}, {pipeline_mode = #tpu.pipeline_mode<synchronous>, transform_indices = @transform_1, window_bounds = array<i64: 128, 128>}, {pipeline_mode = #tpu.pipeline_mode<synchronous>, transform_indices = @transform_2, window_bounds = array<i64: 1, 128>}, {transform_indices = @transform_3, window_bounds = array<i64: 2000, 128>}]} {
    %get3A = arith.constant 0 : index
    %get3A_0 = arith.constant 0 : index
    %get3A_1 = vector.load %arg1[%get3A, %get3A_0] : memref<2000x128xf32, #tpu.memory_space<vmem>>, vector<2000x128xf32>
    %get3A_2 = arith.constant 0 : index
    %get3A_3 = arith.constant 0 : index
    %get3A_4 = vector.load %arg2[%get3A_2, %get3A_3] : memref<128x128xf32, #tpu.memory_space<vmem>>, vector<128x128xf32>
    %dot_general3A = arith.constant dense<0.000000e+00> : vector<2000x128xf32>
    %dot_general3A_5 = tpu.matmul %get3A_1, %get3A_4, %dot_general3A {dimension_numbers = #tpu.dot_dimension_numbers<[1], [0], [0], [1], [0, 0, 1, 1], [], []>, transpose_lhs_hint = false} : vector<2000x128xf32>, vector<128x128xf32>, vector<2000x128xf32> -> vector<2000x128xf32>
    %get3A_6 = arith.constant 0 : index
    %get3A_7 = arith.constant 0 : index
    %get3A_8 = vector.load %arg3[%get3A_6, %get3A_7] : memref<1x128xf32, #tpu.memory_space<vmem>>, vector<1x128xf32>
    %add3A = vector.broadcast %get3A_8 : vector<1x128xf32> to vector<2000x128xf32>
    %add3A_9 = arith.addf %dot_general3A_5, %add3A : vector<2000x128xf32>
    %swap3A = arith.constant 0 : index
    %swap3A_10 = arith.constant 0 : index
    %swap3A_11 = vector.load %arg4[%swap3A, %swap3A_10] : memref<2000x128xf32, #tpu.memory_space<vmem>>, vector<2000x128xf32>
    tpu.vector_store %arg4[%swap3A, %swap3A_10], %add3A_9 {strides = array<i32>} : memref<2000x128xf32, #tpu.memory_space<vmem>>, vector<2000x128xf32>,
    return
  }
  func.func @transform_0(%arg0: i32) -> (i32, i32) {
    %c0_i32 = arith.constant 0 : i32
    %c0_i32_0 = arith.constant 0 : i32
    return %arg0, %c0_i32 : i32, i32
  }
  func.func @transform_1(%arg0: i32) -> (i32, i32) {
    %c0_i32 = arith.constant 0 : i32
    %c0_i32_0 = arith.constant 0 : i32
    %c0_i32_1 = arith.constant 0 : i32
    return %c0_i32, %c0_i32_0 : i32, i32
  }
  func.func @transform_2(%arg0: i32) -> (i32, i32) {
    %c0_i32 = arith.constant 0 : i32
    %c0_i32_0 = arith.constant 0 : i32
    %c0_i32_1 = arith.constant 0 : i32
    return %c0_i32, %c0_i32_0 : i32, i32
  }
  func.func @transform_3(%arg0: i32) -> (i32, i32) {
    %c0_i32 = arith.constant 0 : i32
    %c0_i32_0 = arith.constant 0 : i32
    return %arg0, %c0_i32 : i32, i32
  }
}

module attributes {stable_mosaic.version = 14 : i64} {
  func.func @body(%arg0: i32, %arg1: memref<1x2000x128xf32, #tpu.memory_space<vmem>>, %arg2: memref<1x2000x128xf32, #tpu.memory_space<vmem>>, %arg3: memref<128x128xf32, #tpu.memory_space<vmem>>, %arg4: memref<2000x128xf32, #tpu.memory_space<vmem>>, %arg5: memref<2000x128xf32, #tpu.memory_space<vmem>>) attributes {dimension_semantics = [#tpu.dimension_semantics<arbitrary>], iteration_bounds = array<i64: 5>, scalar_prefetch = 0 : i64, scratch_operands = 0 : i64, tpu.core_type = #tpu.core_type<tc>, window_params = [{transform_indices = @transform_0, window_bounds = array<i64: 1, 2000, 128>}, {transform_indices = @transform_1, window_bounds = array<i64: 1, 2000, 128>}, {pipeline_mode = #tpu.pipeline_mode<synchronous>, transform_indices = @transform_2, window_bounds = array<i64: 128, 128>}, {transform_indices = @transform_3, window_bounds = array<i64: 2000, 128>}, {transform_indices = @transform_4, window_bounds = array<i64: 2000, 128>}]} {
    %get3A = arith.constant 0 : index
    %get3A_0 = arith.constant 0 : index
    %get3A_1 = arith.constant 0 : index
    %get3A_2 = vector.load %arg1[%get3A, %get3A_0, %get3A_1] : memref<1x2000x128xf32, #tpu.memory_space<vmem>>, vector<1x2000x128xf32>
    %get3A_3 = vector.shape_cast %get3A_2 : vector<1x2000x128xf32> to vector<2000x128xf32>
    %get3A_4 = arith.constant 0 : index
    %get3A_5 = arith.constant 0 : index
    %get3A_6 = arith.constant 0 : index
    %get3A_7 = vector.load %arg2[%get3A_4, %get3A_5, %get3A_6] : memref<1x2000x128xf32, #tpu.memory_space<vmem>>, vector<1x2000x128xf32>
    %get3A_8 = vector.shape_cast %get3A_7 : vector<1x2000x128xf32> to vector<2000x128xf32>
    %add3A = arith.addf %get3A_3, %get3A_8 : vector<2000x128xf32>
    %get3A_9 = arith.constant 0 : index
    %get3A_10 = arith.constant 0 : index
    %get3A_11 = vector.load %arg3[%get3A_9, %get3A_10] : memref<128x128xf32, #tpu.memory_space<vmem>>, vector<128x128xf32>
    %dot_general3A = arith.constant dense<0.000000e+00> : vector<2000x128xf32>
    %dot_general3A_12 = tpu.matmul %add3A, %get3A_11, %dot_general3A {dimension_numbers = #tpu.dot_dimension_numbers<[1], [0], [0], [1], [0, 0, 1, 1], [], []>, transpose_lhs_hint = false} : vector<2000x128xf32>, vector<128x128xf32>, vector<2000x128xf32> -> vector<2000x128xf32>
    %get3A_13 = arith.constant 0 : index
    %get3A_14 = arith.constant 0 : index
    %get3A_15 = vector.load %arg4[%get3A_13, %get3A_14] : memref<2000x128xf32, #tpu.memory_space<vmem>>, vector<2000x128xf32>
    %add3A_16 = arith.addf %dot_general3A_12, %get3A_15 : vector<2000x128xf32>
    %swap3A = arith.constant 0 : index
    %swap3A_17 = arith.constant 0 : index
    %swap3A_18 = vector.load %arg5[%swap3A, %swap3A_17] : memref<2000x128xf32, #tpu.memory_space<vmem>>, vector<2000x128xf32>
    tpu.vector_store %arg5[%swap3A, %swap3A_17], %add3A_16 {strides = array<i32>} : memref<2000x128xf32, #tpu.memory_space<vmem>>, vector<2000x128xf32>,
    return
  }
  func.func @transform_0(%arg0: i32) -> (i32, i32, i32) {
    %c0_i32 = arith.constant 0 : i32
    %c0_i32_0 = arith.constant 0 : i32
    %c0_i32_1 = arith.constant 0 : i32
    return %c0_i32, %arg0, %c0_i32_0 : i32, i32, i32
  }
  func.func @transform_1(%arg0: i32) -> (i32, i32, i32) {
    %c1_i32 = arith.constant 1 : i32
    %c0_i32 = arith.constant 0 : i32
    %c0_i32_0 = arith.constant 0 : i32
    return %c1_i32, %arg0, %c0_i32 : i32, i32, i32
  }
  func.func @transform_2(%arg0: i32) -> (i32, i32) {
    %c0_i32 = arith.constant 0 : i32
    %c0_i32_0 = arith.constant 0 : i32
    %c0_i32_1 = arith.constant 0 : i32
    return %c0_i32, %c0_i32_0 : i32, i32
  }
  func.func @transform_3(%arg0: i32) -> (i32, i32) {
    %c0_i32 = arith.constant 0 : i32
    %c0_i32_0 = arith.constant 0 : i32
    return %arg0, %c0_i32 : i32, i32
  }
  func.func @transform_4(%arg0: i32) -> (i32, i32) {
    %c0_i32 = arith.constant 0 : i32
    %c0_i32_0 = arith.constant 0 : i32
    return %arg0, %c0_i32 : i32, i32
  }
}

</mosaic_0001>

<sc_bundles>
// kernel: kernel.5.cloned.1.call-start
scs
__scs_entry_jumppad:
0x0: {  	(pc) =	sbr.rel $0x88, $3  }
0x1: {  	(tag) =	ssettag $0x0;
	lr =	simm.s32 $0x1  }
0x2: {  	[smem:$0x3F9B] =	sst lr;
	_ =	strace $0xD0000000  }
0x3: {  	_ = 	snop  }
0x4: {  	_ = 	snop  }
0x5: {  	_ = 	snop  }
0x6: {  	_ = 	snop  }
0x7: {  	_ = 	snop  }
__scs_overlays_trampoline_lowered:
0x8: {  	[smem:$0x3FAA] =	sst s0  }
0x9: {  	[smem:$0x3FAB] =	sst s1  }
0xa: {  	[smem:$0x3FAC] =	sst s2  }
0xb: {  	[smem:$0x3FAD] =	sst s3  }
0xc: {  	[smem:$0x3FAE] =	sst s4  }
0xd: {  	[smem:$0x3FAF] =	sst s5  }
0xe: {  	[smem:$0x3FB0] =	sst s6  }
0xf: {  	[smem:$0x3FB1] =	sst s7  }
0x10: {  	[smem:$0x3FB2] =	sst s8  }
0x11: {  	[smem:$0x3FB3] =	sst s9;
	s0 =	simm.s32 @!p0 $0x0  }
0x12: {  	s1 =	sld [smem:$0x3F99];
	s0 =	simm.s32 @p0 $0x1  }
0x13: {  	[smem:$0x3FB4] =	sst s0;
	s0 =	simm.s32 @!p1 $0x0  }
0x14: {  	s2 =	sld [smem:$0x3F98];
	s0 =	simm.s32 @p1 $0x1  }
0x15: {  	[smem:$0x3FB5] =	sst s0;
	s0 =	simm.s32 @!p2 $0x0  }
0x16: {  	s3 =	sld [smem:$0x3FDB];
	s0 =	simm.s32 @p2 $0x1  }
0x17: {  	s4 =	simm.s32 $0x1BF5;
	[smem:$0x3FB7] =	sst s0  }
0x18: {  	s0 =	sld [smem:$0x3F9A];
	_ =	swait.ge [sflag:s4], $0x0  }
0x19: {  	s7 =	sld [smem:$0x3F9B]  }
0x1a: {  	s8 =	sadd.s32 $0xFFFFE003, lr  }
0x1b: {  	s9 =	sadd.s32 $0xFFFFFEF7, lr;
	s5 =	simm.s32 $0xFFFFFFFF;
	p2 =	slt.u32 s8, $0xFFFFF086  }
0x1c: {  	p1 =	slt.u32 s9, $0xF7A;
	s5 =	simm.s32 @!p2 $0x0  }
0x1d: {  	s5 =	simm.s32 @p1 $0x1;
	p0 =	seq.s32 s7, s2  }
0x1e: {  	s7 =	smul.u32 @!p0 $0xF7A, s2;
	p2 =	seq.s32 @!p0 s5, $0x0  }
0x1f: {  	s9 =	smul.u32 $0xF7A, s1;
	s8 =	simm.s32 @!p0 $0x1BF5;
	p2 =	por !p2, p0  }
0x20: {  	[sflag:s8] =	ssyncset.s32 @!p0 $0xFFFFF086;
	s6 =	sadd.s32 @!p0 s3, s7;
	s7 =	simm.s32 @!p0 $0x108  }
0x21: {  	s3 =	sadd.s32 s3, s9;
	s6 =	sadd.s32 @!p0 $0x88, s6;
	s7 =	simm.s32 @p2 $0x1082  }
0x22: {  	[simem:s7], [sflag:s8] =	dma.local @!p0 [hbm:s6], $0xF7A  }
0x23: {  	s9 =	sor.u32 $0xD0000000, s2;
	s6 =	simm.s32 $0x108;
	_ =	swait.ge @!p0 [sflag:s8], $0x0  }
0x24: {  	s3 =	sadd.s32 $0x88, s3;
	s6 =	simm.s32 @!p1 $0x1082;
	[sflag:s4] =	ssyncset.s32 $0xFFFFF086  }
0x25: {  	[simem:s6], [sflag:s4] =	dma.local [hbm:s3], $0xF7A  }
0x26: {  	[smem:$0x3F9B] =	sst s1;
	(tag) =	ssettag s2;
	_ =	strace s9  }
0x27: {  	s1 =	sld [smem:$0x3FAB]  }
0x28: {  	s2 =	sld [smem:$0x3FAC]  }
0x29: {  	s4 =	sld [smem:$0x3FAE]  }
0x2a: {  	p0 =	seq.s32 s5, $0x0;
	s5 =	sld [smem:$0x3FAF]  }
0x2b: {  	s6 =	sld [smem:$0x3FB0]  }
0x2c: {  	s7 =	sld [smem:$0x3FB1]  }
0x2d: {  	s3 =	simm.s32 $0x108;
	s8 =	sld [smem:$0x3FB2]  }
0x2e: {  	s3 =	simm.s32 @!p0 $0x1082;
	s9 =	sld [smem:$0x3FB3]  }
0x2f: {  	lr =	sadd.s32 s0, s3;
	s0 =	sld [smem:$0x3FAA]  }
0x30: {  	s3 =	sld [smem:$0x3FAD]  }
0x31: {  	[smem:$0x3FB6] =	sst s10  }
0x32: {  	s10 =	sld [smem:$0x3FB4];
	_ =	sdelay $0x3  }
0x33: {  	p0 =	seq.s32 s10, $0x1;
	s10 =	sld [smem:$0x3FB6];
	_ =	sdelay $0x3  }
0x34: {  	[smem:$0x3FB6] =	sst s10  }
0x35: {  	s10 =	sld [smem:$0x3FB5];
	_ =	sdelay $0x3  }
0x36: {  	p1 =	seq.s32 s10, $0x1;
	s10 =	sld [smem:$0x3FB6];
	_ =	sdelay $0x3  }
0x37: {  	[smem:$0x3FB6] =	sst s10  }
0x38: {  	s10 =	sld [smem:$0x3FB7]  }
0x39: {  	_ = 	snop;
	(pc) =	sbr.ind lr, $3  }
0x3a: {  	_ = 	snop  }
0x3b: {  	_ = 	snop  }
0x3c: {  	p2 =	seq.s32 s10, $0x1;
	s10 =	sld [smem:$0x3FB6]  }
0x3d: {  	_ =	shalt  }
0x3e: {  	_ =	shalt  }
0x3f: {  	_ =	shalt  }
0x40: {  	_ =	shalt  }
0x41: {  	_ =	shalt  }
0x42: {  	_ =	shalt  }
0x43: {  	_ =	shalt  }
0x44: {  	_ =	shalt  }
0x45: {  	_ =	shalt  }
0x46: {  	_ =	shalt  }
0x47: {  	_ =	shalt  }
0x48: {  	_ =	shalt  }
0x49: {  	_ =	shalt  }
0x4a: {  	_ =	shalt  }
0x4b: {  	_ =	shalt  }
0x4c: {  	_ =	shalt  }
0x4d: {  	_ =	shalt  }
0x4e: {  	_ =	shalt  }
0x4f: {  	_ =	shalt  }
0x50: {  	_ =	shalt  }
0x51: {  	_ =	shalt  }
0x52: {  	_ =	shalt  }
0x53: {  	_ =	shalt  }
0x54: {  	_ =	shalt  }
0x55: {  	_ =	shalt  }
0x56: {  	_ =	shalt  }
0x57: {  	_ =	shalt  }
0x58: {  	_ =	shalt  }
0x59: {  	_ =	shalt  }
0x5a: {  	_ =	shalt  }
0x5b: {  	_ =	shalt  }
0x5c: {  	_ =	shalt  }
0x5d: {  	_ =	shalt  }
0x5e: {  	_ =	shalt  }
0x5f: {  	_ =	shalt  }
0x60: {  	_ =	shalt  }
0x61: {  	_ =	shalt  }
0x62: {  	_ =	shalt  }
0x63: {  	_ =	shalt  }
0x64: {  	_ =	shalt  }
0x65: {  	_ =	shalt  }
0x66: {  	_ =	shalt  }
0x67: {  	_ =	shalt  }
0x68: {  	_ =	shalt  }
0x69: {  	_ =	shalt  }
0x6a: {  	_ =	shalt  }
0x6b: {  	_ =	shalt  }
0x6c: {  	_ =	shalt  }
0x6d: {  	_ =	shalt  }
0x6e: {  	_ =	shalt  }
0x6f: {  	_ =	shalt  }
0x70: {  	_ =	shalt  }
0x71: {  	_ =	shalt  }
0x72: {  	_ =	shalt  }
0x73: {  	_ =	shalt  }
0x74: {  	_ =	shalt  }
0x75: {  	_ =	shalt  }
0x76: {  	_ =	shalt  }
0x77: {  	_ =	shalt  }
0x78: {  	_ =	shalt  }
0x79: {  	_ =	shalt  }
0x7a: {  	_ =	shalt  }
0x7b: {  	_ =	shalt  }
0x7c: {  	_ =	shalt  }
0x7d: {  	_ =	shalt  }
0x7e: {  	_ =	shalt  }
0x7f: {  	_ =	shalt  }
0x80: {  	_ =	shalt  }
0x81: {  	_ =	shalt  }
0x82: {  	_ =	shalt  }
0x83: {  	_ =	shalt  }
0x84: {  	_ =	shalt  }
0x85: {  	_ =	shalt  }
0x86: {  	_ =	shalt  }
0x87: {  	_ =	shalt  }
.Lfunc_end0:
.L_simem_size_0:
called_computation_lowered:
.L_overlay_start_0:
0x88: {  	s2 =	sld [smem:$0x3FD9]  }
0x89: {  	s3 =	sld [smem:$0x3FFE];
	_ =	sdelay $0x1  }
0x8a: {  	s1 =	srdreg.scid  }
0x8b: {  	s0 =	sand.u32 $0x1, s1  }
0x8c: {  	s17 =	sshll.u32 s0, $0xA;
	s2 =	sadd.s32 s3, s2  }
0x8d: {  	s2 =	sadd.s32 s2, s17  }
0x8e: {  	[smem:$0x3FC2] =	sst s2  }
0x8f: {  	_ = 	snop  }
0x90: {  	s2 =	sld [smem:$0x3FC9]  }
0x91: {  	s18 =	sld [smem:$0x3FD0];
	(tm) =	ssettm $0x1  }
0x92: {  	s4 =	sld [smem:$0x3FFB];
	_ =	sdelay $0x3  }
0x93: {  	_ =	strace s4  }
0x94: {  	s4 =	sld [smem:$0x3FFC];
	_ =	sdelay $0x3  }
0x95: {  	_ =	strace s4  }
0x96: {  	s4 =	sld [smem:$0x3FFD];
	_ =	sdelay $0x3  }
0x97: {  	_ =	strace s4  }
0x98: {  	_ =	strace $0x8FFFFFFF  }
0x99: {  	s19 =	sld [smem:$0x3FDB];
	_ =	sdelay $0x1  }
0x9a: {  	s5 =	simm.s32 $_scs_section_size  }
0x9b: {  	s6 =	simm.s32 $_size__tile_overlayer_lowered;
	s7 =	simm.s32 $_tile_overlayer_lowered  }
0x9c: {  	s22 =	simm.s32 $0x1BFF;
	s21 =	sshll.u32 s7, $0x1;
	s4 =	sadd.s32 s5, s19  }
0x9d: {  	s8 =	simm.s32 $0x0;
	s20 =	sshll.u32 s6, $0x1;
	s6 =	sadd.s32 s21, s4  }
0x9e: {  	[timem:s8], [sflag:s22] =	dma.local [hbm:s6], s20  }
0x9f: {  	_ =	swait.ge [sflag:s22], s20  }
0xa0: {  	s5 =	ssub.s32 $0x0, s20;
	[sflag:s22] =	ssyncset.done $0x0  }
0xa1: {  	[sflag:s22] =	ssyncadd.s32 s5;
	_ =	sdelay $0x1  }
0xa2: {  	s23 =	simm.s32 $0x1B8B  }
0xa3: {  	_ =	swait.ge [sflag:s23], $0x1  }
0xa4: {  	[sflag:s23] =	ssyncset.done $0x0  }
0xa5: {  	s25 =	simm.s32 $0x1B8E;
	s24 =	sld [smem:$0x3FFE];
	[sflag:s23] =	ssyncadd.s32 $0xFFFFFFFF  }
0xa6: {  	s26 =	simm.s32 $execute0_lowered;
	[smem:$0x3FD2] =	sst s25  }
0xa7: {  	s6 =	sshll.u32 s26, $0x1;
	_ =	strace $0x80000046;
	[dreg:$0x1] =	wrdreg $0xFFFFFFFF  }
0xa8: {  	s28 =	simm.s32 $_size_execute0_lowered;
	s4 =	sadd.s32 s4, s6;
	[dreg:$0x0] =	wrdreg $0x0  }
0xa9: {  	s6 =	sshll.u32 s28, $0x1;
	[dreg:$0x2] =	wrdreg s4  }
0xaa: {  	[dreg:$0x3] =	wrdreg s6  }
0xab: {  	[dreg:$0x4] =	wrdreg $0xC0  }
0xac: {  	_ =	task [dreg:s8], $0x5FFFF  }
0xad: {  	[dreg:$0x1] =	wrdreg $0xFFFFFFFF  }
0xae: {  	[dreg:$0x0] =	wrdreg $0x60  }
0xaf: {  	[dreg:$0x2] =	wrdreg s2  }
0xb0: {  	[dreg:$0x3] =	wrdreg s18  }
0xb1: {  	[dreg:$0x4] =	wrdreg s24  }
0xb2: {  	[dreg:$0x5] =	wrdreg $0xC4800  }
0xb3: {  	[dreg:$0x6] =	wrdreg $0x9  }
0xb4: {  	_ =	task.clear_ibuf [dreg:s8], $0x7FFFF;
	_ =	strace $0x90000046  }
0xb5: {  	s29 =	simm.s32 $0x9;
	_ =	strace $0x80000048  }
0xb6: {  	_ =	swait.ge [sflag:s29], $0x1  }
0xb7: {  	[sflag:s29] =	ssyncadd.s32 $0xFFFFFFFF  }
0xb8: {  	_ =	strace $0x90000048  }
0xb9: {  	_ =	sfence  }
0xba: {  	s30 =	sld [smem:$0x0];
	_ =	sdelay $0x2  }
0xbb: {  	s31 =	sshll.u32 s1, $0xD;
	s1 =	sshrl.u32 s1, $0x2  }
0xbc: {  	s3 =	sand.u32 $0x4000, s31;
	s1 =	sadd.s32 s1, s30  }
0xbd: {  	s0 =	sor.u32 s3, s0;
	s1 =	sshll.u32 s1, $0x11  }
0xbe: {  	s0 =	sor.u32 s1, s0  }
0xbf: {  	s0 =	sadd.s32 $0x8F2B, s0  }
0xc0: {  	[sflag:s0] =	ssyncadd.remote.s32 $0x1  }
0xc1: {  	_ =	sfence.sel $0xFFFF  }
0xc2: {  	[dreg:$0x0] =	wrdreg $0xFFFFFFFF;
	(pc) =	sbr.abs _section_cstart, $3  }
0xc3: {  	[dreg:$0x1] =	wrdreg $0xFFFFFFFF  }
0xc4: {  	_ =	task.clear_ibuf [dreg:s8], $0x2FFFF;
	_ =	strace $0x9FFFFFFF  }
0xc5: {  	(tm) =	ssettm $0x7FFFFFFF  }
tec
execute0_lowered:
.L_overlay_start_1:
0x0: {  	(tag) =	ssettag $0x1  }
0x1: {  	s1 =	srdreg.scid;
	s0 =	rddreg [dreg:$0x0]  }
0x2: {  	s3 =	rddreg [dreg:$0x1];
	s14 =	stileid.u32  }
0x3: {  	s6 =	rddreg [dreg:$0x2];
	s28 =	simm.s32 $0x8480;
	s30 =	simm.s32 $0x9480  }
0x4: {  	s31 =	simm.s32 $0xA480;
	s1 =	sand.u32 $0x1, s1;
	s12 =	smul.u32 $0x4E000, s14  }
0x5: {  	s5 =	sshll.u32 s14, $0x7;
	s15 =	sadd.s32 $0x29400, s6;
	s20 =	smul.u32 $0x13800, s14  }
0x6: {  	p0 =	sne.s32 s14, $0x0;
	s2 =	sshll.u32 s1, $0x4;
	s9 =	sand.u32 $0x380, s5  }
0x7: {  	s11 =	ssub.s32 $0x2, s1;
	s1 =	smul.u32 $0x138800, s1;
	s4 =	sor.u32 s14, s2  }
0x8: {  	s2 =	rddreg [dreg:$0x3];
	s18 =	sshrl.u32 s12, $0x2;
	s12 =	simm.s32 $0x7  }
0x9: {  	s14 =	simm.s32 $0x9;
	s7 =	sshrl.u32 s4, $0x3;
	s8 =	smul.u32 $0xA000, s4  }
0xa: {  	s4 =	simm.s32 $0x0;
	s19 =	sadd.s32 s18, s2;
	s21 =	sadd.s32 $0x138000, s2  }
0xb: {  	s24 =	sadd.s32 s20, s1;
	s1 =	sshrl.u32 s1, $0x3;
	s18 =	simm.s32 $0xD  }
0xc: {  	s13 =	sshll.u32 s7, $0xA;
	[smem:$0x7FF] =	sst s4;
	s7 =	smul.u32 $0x13C00, s7  }
0xd: {  	s25 =	sshrl.u32 s24, $0x3;
	_ =	strace $0x80000047;
	[dreg:$0x5] =	wrdreg s15  }
0xe: {  	s24 =	simm.s32 $0x6480;
	s5 =	sor.u32 s9, s13;
	[dreg:$0x8] =	wrdreg s19  }
0xf: {  	s8 =	sshrl.u32 s8, $0x3;
	s13 =	sshrl.u32 s11, $0x1;
	[dreg:$0x9] =	wrdreg s21  }
0x10: {  	s15 =	simm.s32 $0xB;
	s19 =	simm.s32 $0xC;
	s21 =	simm.s32 $0x0  }
0x11: {  	s5 =	sshrl.u32 s5, $0x3;
	s8 =	sadd.s32 s8, s6;
	s11 =	ssub.s32 s11, s13  }
0x12: {  	s7 =	sor.u32 s9, s7;
	s13 =	simm.s32 $0x8;
	s10 =	sadd.s32 s5, s6  }
0x13: {  	s6 =	sadd.s32 $0x2BC00, s6;
	s9 =	sshrl.u32 s7, $0x3;
	s7 =	sadd.s32 $0x9C00, s7  }
0x14: {  	s23 =	sadd.s32 $0x1200, s8;
	s26 =	sadd.s32 $0x1C00, s8;
	s29 =	smax.u32 s11, $0x1  }
0x15: {  	s5 =	simm.s32 $0x6400;
	s8 =	simm.s32 $0x3;
	[dreg:$0xb] =	wrdreg s23  }
0x16: {  	s11 =	simm.s32 $0x6;
	s16 =	sadd.s32 $0x29200, s10;
	[dreg:$0xd] =	wrdreg s26  }
0x17: {  	s17 =	sadd.s32 $0x1000, s10;
	s22 =	sadd.s32 s3, s9;
	[dreg:$0x10] =	wrdreg s29  }
0x18: {  	s7 =	sshrl.u32 s7, $0x3;
	s1 =	sadd.s32 s6, s1;
	[dreg:$0x6] =	wrdreg s16  }
0x19: {  	s23 =	simm.s32 $0x20;
	s9 =	simm.s32 $0x4;
	[dreg:$0x7] =	wrdreg s17  }
.Ltmp0:
0x1a: {  	s10 =	simm.s32 $0x5;
	[dreg:$0xa] =	wrdreg s22;
	(pc) =	sbr.rel .LBB2_1-.Ltmp0, $4  }
0x1b: {  	s3 =	sadd.s32 s3, s7;
	s1 =	sadd.s32 $0x27000, s1;
	s16 =	simm.s32 $0x6380  }
0x1c: {  	s7 =	simm.s32 $0x2;
	s17 =	simm.s32 $0xA;
	[dreg:$0xc] =	wrdreg s3  }
0x1d: {  	s3 =	sadd.s32 s6, s25;
	[dreg:$0xf] =	wrdreg s1;
	s25 =	simm.s32 $0x7480  }
0x1e: {  	s1 =	simm.s32 $0xB480;
	s6 =	simm.s32 $0x1;
	[dreg:$0xe] =	wrdreg s3  }
.LBB2_7:
0x1f: {  	_ =	swait.ge [sflag:s13], $0x1000  }
0x20: {  	[sflag:s13] =	ssyncset.done $0x0  }
0x21: {  	[sflag:s13] =	ssyncadd.s32 $0xFFFFF000  }
0x22: {  	_ =	swait.ge [sflag:s14], $0x1000  }
0x23: {  	[sflag:s14] =	ssyncset.done $0x0  }
0x24: {  	[sflag:s14] =	ssyncadd.s32 $0xFFFFF000  }
0x25: {  	_ =	swait.ge [sflag:s17], $0x1000  }
0x26: {  	[sflag:s17] =	ssyncset.done $0x0  }
0x27: {  	[sflag:s17] =	ssyncadd.s32 $0xFFFFF000  }
0x28: {  	_ =	swait.ge [sflag:s15], $0x1000  }
0x29: {  	[sflag:s15] =	ssyncset.done $0x0  }
0x2a: {  	[sflag:s15] =	ssyncadd.s32 $0xFFFFF000  }
0x2b: {  	_ =	swait.ge [sflag:s19], $0x1000  }
0x2c: {  	[sflag:s19] =	ssyncset.done $0x0  }
0x2d: {  	s16 =	simm.s32 $0x6380;
	s5 =	simm.s32 $0x10;
	[sflag:s19] =	ssyncadd.s32 $0xFFFFF000  }
0x2e: {  	[tilespmem:s24], [sflag:$0xD] =	stream.indirect.gather [hbm4b:s0+s5], $0x80, s16, s5, $0xb8;
	[tilespmem:$0x1FD00] =	vst v63  }
0x2f: {  	_ =	swait.ge [sflag:s18], $0x800  }
0x30: {  	[sflag:s18] =	ssyncset.done $0x0  }
0x31: {  	s3 =	simm.s32 $0x6400;
	[sflag:s18] =	ssyncadd.s32 $0xFFFFF800  }
0x32: {  	[spmem:s2] =	stream.indirect.scatter.add.f32 [tilespmem:s24], [sflag:$0xD], $0x80, s3, s5, $0xb8;
	[tilespmem:$0x1FD00] =	vst v63  }
0x33: {  	_ =	swait.ge [sflag:s18], $0x800  }
0x34: {  	[sflag:s18] =	ssyncset.done $0x0  }
0x35: {  	[sflag:s18] =	ssyncadd.s32 $0xFFFFF800  }
0x36: {  	[bflag:$0x0] =	sbarrier.arrive $0xFFFF  }
0x37: {  	s20 =	rddreg [dreg:$0xe]  }
0x38: {  	[hbm:s20], [sflag:s22] =	dma.local [spmem:s26], $0x2700  }
0x39: {  	_ =	swait.ge [sflag:s18], $0x2700  }
0x3a: {  	[sflag:s18] =	ssyncset.done $0x0  }
0x3b: {  	s3 =	rddreg [dreg:$0xf];
	[sflag:s18] =	ssyncadd.s32 $0xFFFFD900  }
0x3c: {  	[hbm:s3], [sflag:s22] =	dma.local @!p0 [spmem:s29], $0x100  }
0x3d: {  	s3 =	simm.s32 @!p0 $0xD  }
0x3e: {  	_ =	swait.ge @!p0 [sflag:s3], $0x100  }
0x3f: {  	s21 =	sadd.s32 $0x1, s21;
	s29 =	rddreg [dreg:$0x10]  }
0x40: {  	p1 =	sne.s32 s21, s29  }
.Ltmp1:
0x41: {  	_ = 	snop;
	(pc) =	sbr.rel @!p1 .LBB2_8-.Ltmp1, $3  }
0x42: {  	_ =	sdelay $0x1  }
0x43: {  	[sflag:s3] =	ssyncset.done @!p0 $0x0  }
0x44: {  	s5 =	simm.s32 $0x6400;
	[sflag:s3] =	ssyncadd.s32 @!p0 $0xFFFFFF00  }
.LBB2_1:
0x45: {  	s3 =	rddreg [dreg:$0x6]  }
0x46: {  	[tilespmem:s16], [sflag:$0xD] =	stream.linear.gather [hbm4b:s3+s4], $0x80, $0x38;
	[tilespmem:$0x1FD00] =	vst v63  }
0x47: {  	_ =	swait.ge [sflag:s18], $0x80  }
0x48: {  	[sflag:s18] =	ssyncset.done $0x0  }
0x49: {  	s26 =	stileid.u32;
	s22 =	rddreg [dreg:$0x7];
	[sflag:s18] =	ssyncadd.s32 $0xFFFFFF80  }
0x4a: {  	[tilespmem:s5], [sflag:$0xD] =	stream.linear.gather [hbm4b:s22+s4], $0x80, $0x38;
	[tilespmem:$0x1FD00] =	vst v63  }
0x4b: {  	s3 =	sshll.u32 s26, $0x6;
	_ =	swait.ge [sflag:s18], $0x80  }
0x4c: {  	s22 =	sor.u32 $0x1C0D, s3;
	[sflag:s18] =	ssyncset.done $0x0;
	s5 =	rddreg [dreg:$0x8]  }
0x4d: {  	s3 =	rddreg [dreg:$0x5];
	[sflag:s18] =	ssyncadd.s32 $0xFFFFFF80;
	s26 =	sshrl.u32 s5, $0x3  }
0x4e: {  	[spmem:s26], [sflag:s22] =	dma.local [hbm:s3], $0x2700  }
0x4f: {  	_ =	swait.ge [sflag:s18], $0x2700  }
0x50: {  	[sflag:s18] =	ssyncset.done $0x0;
	s5 =	rddreg [dreg:$0x9]  }
0x51: {  	[sflag:s18] =	ssyncadd.s32 $0xFFFFD900;
	s29 =	sshrl.u32 @!p0 s5, $0x3  }
0x52: {  	[spmem:s29], [sflag:s22] =	dma.local @!p0 [hbm:s3], $0x100  }
0x53: {  	s3 =	simm.s32 @!p0 $0xD  }
0x54: {  	_ =	swait.ge @!p0 [sflag:s3], $0x100  }
0x55: {  	[sflag:s3] =	ssyncset.done @!p0 $0x0  }
0x56: {  	[sflag:s3] =	ssyncadd.s32 @!p0 $0xFFFFFF00  }
0x57: {  	[bflag:$0x0] =	sbarrier.arrive $0xFFFF  }
0x58: {  	s20 =	simm.s32 $0x400;
	s5 =	simm.s32 $0x80;
	s16 =	rddreg [dreg:$0xa]  }
0x59: {  	[tilespmem:s4], [sflag:$0xD] =	stream.strided.gather [hbm4b:s16+s5], $0x1380, s20, s5, $0x38;
	[tilespmem:$0x1FD00] =	vst v63  }
0x5a: {  	_ =	swait.ge [sflag:s18], $0x1380  }
0x5b: {  	[sflag:s18] =	ssyncset.done $0x0  }
0x5c: {  	s20 =	simm.s32 $0x1380;
	s16 =	rddreg [dreg:$0xb];
	[sflag:s18] =	ssyncadd.s32 $0xFFFFEC80  }
0x5d: {  	[tilespmem:s20], [sflag:$0xD] =	stream.linear.gather [hbm4b:s16+s4], $0x4E00, $0x38;
	[tilespmem:$0x1FD00] =	vst v63  }
0x5e: {  	_ =	swait.ge [sflag:s18], $0x4E00  }
0x5f: {  	[sflag:s18] =	ssyncset.done $0x0  }
0x60: {  	[sflag:s18] =	ssyncadd.s32 $0xFFFFB200  }
0x61: {  	[tilespmem:s24], [sflag:$0x1] =	stream.indirect.gather [hbm4b:s0+s23], $0x80, s4, s23, $0xb8;
	[tilespmem:$0x1FD00] =	vst v63  }
0x62: {  	_ = 	snop  }
0x63: {  	[tilespmem:s25], [sflag:$0x2] =	stream.indirect.gather [hbm4b:s0+s23], $0x80, s23, s23, $0xb8;
	[tilespmem:$0x1FD00] =	vst v63  }
0x64: {  	s20 =	simm.s32 $0x40  }
0x65: {  	[tilespmem:s28], [sflag:$0x3] =	stream.indirect.gather [hbm4b:s0+s23], $0x80, s20, s23, $0xb8;
	[tilespmem:$0x1FD00] =	vst v63  }
0x66: {  	s16 =	simm.s32 $0x60  }
0x67: {  	[tilespmem:s30], [sflag:$0x4] =	stream.indirect.gather [hbm4b:s0+s23], $0x80, s16, s23, $0xb8;
	[tilespmem:$0x1FD00] =	vst v63  }
0x68: {  	_ = 	snop  }
0x69: {  	[tilespmem:s31], [sflag:$0x5] =	stream.indirect.gather [hbm4b:s0+s23], $0x80, s5, s23, $0xb8;
	[tilespmem:$0x1FD00] =	vst v63  }
0x6a: {  	s3 =	simm.s32 $0x1600;
	s20 =	simm.s32 $0xA0;
	s16 =	simm.s32 $0x0  }
0x6b: {  	[tilespmem:s1], [sflag:$0x6] =	stream.indirect.gather [hbm4b:s0+s23], $0x80, s20, s23, $0xb8;
	[tilespmem:$0x1FD00] =	vst v63  }
.LBB2_2:
0x6c: {  	_ =	swait.ge [sflag:s6], $0x1000  }
0x6d: {  	[sflag:s6] =	ssyncset.done $0x0  }
0x6e: {  	s5 =	sadd.s32 $0xFFFFFD80, s3;
	[sflag:s6] =	ssyncadd.s32 $0xFFFFF000  }
0x6f: {  	[spmem:s2] =	stream.indirect.scatter.add.f32 [tilespmem:s24], [sflag:$0x7], $0x80, s5, s23, $0xb8;
	[tilespmem:$0x1FD00] =	vst v63  }
0x70: {  	_ =	swait.ge [sflag:s7], $0x1000  }
0x71: {  	[sflag:s7] =	ssyncset.done $0x0  }
0x72: {  	s20 =	sadd.s32 $0xFFFFFE00, s3;
	[sflag:s7] =	ssyncadd.s32 $0xFFFFF000  }
0x73: {  	[spmem:s2] =	stream.indirect.scatter.add.f32 [tilespmem:s25], [sflag:$0x8], $0x80, s20, s23, $0xb8;
	[tilespmem:$0x1FD00] =	vst v63  }
0x74: {  	_ =	swait.ge [sflag:s8], $0x1000  }
0x75: {  	[sflag:s8] =	ssyncset.done $0x0  }
0x76: {  	s20 =	sadd.s32 $0xFFFFFE80, s3;
	[sflag:s8] =	ssyncadd.s32 $0xFFFFF000  }
0x77: {  	[spmem:s2] =	stream.indirect.scatter.add.f32 [tilespmem:s28], [sflag:$0x9], $0x80, s20, s23, $0xb8;
	[tilespmem:$0x1FD00] =	vst v63  }
0x78: {  	_ =	swait.ge [sflag:s9], $0x1000  }
0x79: {  	[sflag:s9] =	ssyncset.done $0x0  }
0x7a: {  	s20 =	sadd.s32 $0xFFFFFF00, s3;
	[sflag:s9] =	ssyncadd.s32 $0xFFFFF000  }
0x7b: {  	[spmem:s2] =	stream.indirect.scatter.add.f32 [tilespmem:s30], [sflag:$0xA], $0x80, s20, s23, $0xb8;
	[tilespmem:$0x1FD00] =	vst v63  }
0x7c: {  	_ =	swait.ge [sflag:s10], $0x1000  }
0x7d: {  	[sflag:s10] =	ssyncset.done $0x0  }
0x7e: {  	s20 =	sadd.s32 $0xFFFFFF80, s3;
	[sflag:s10] =	ssyncadd.s32 $0xFFFFF000  }
0x7f: {  	[spmem:s2] =	stream.indirect.scatter.add.f32 [tilespmem:s31], [sflag:$0xB], $0x80, s20, s23, $0xb8;
	[tilespmem:$0x1FD00] =	vst v63  }
0x80: {  	_ =	swait.ge [sflag:s11], $0x1000  }
0x81: {  	p1 =	seq.s32 s16, $0x4B00;
	[sflag:s11] =	ssyncset.done $0x0  }
.Ltmp2:
0x82: {  	[sflag:s11] =	ssyncadd.s32 $0xFFFFF000;
	(pc) =	sbr.rel @p1 .LBB2_4-.Ltmp2, $4  }
0x83: {  	[spmem:s2] =	stream.indirect.scatter.add.f32 [tilespmem:s1], [sflag:$0xC], $0x80, s3, s23, $0xb8;
	[tilespmem:$0x1FD00] =	vst v63  }
0x84: {  	_ =	swait.ge [sflag:s12], $0x1000  }
0x85: {  	[sflag:s12] =	ssyncset.done $0x0  }
0x86: {  	[sflag:s12] =	ssyncadd.s32 $0xFFFFF000  }
0x87: {  	s5 =	sshra.s32 s16, $0x2  }
0x88: {  	s20 =	sadd.s32 $0xC0, s5  }
0x89: {  	[tilespmem:s24], [sflag:$0x1] =	stream.indirect.gather [hbm4b:s0+s23], $0x80, s20, s23, $0xb8;
	[tilespmem:$0x1FD00] =	vst v63  }
0x8a: {  	_ =	swait.ge [sflag:s13], $0x1000  }
0x8b: {  	[sflag:s13] =	ssyncset.done $0x0  }
0x8c: {  	s20 =	sadd.s32 $0xE0, s5;
	[sflag:s13] =	ssyncadd.s32 $0xFFFFF000  }
0x8d: {  	[tilespmem:s25], [sflag:$0x2] =	stream.indirect.gather [hbm4b:s0+s23], $0x80, s20, s23, $0xb8;
	[tilespmem:$0x1FD00] =	vst v63  }
0x8e: {  	_ =	swait.ge [sflag:s14], $0x1000  }
0x8f: {  	[sflag:s14] =	ssyncset.done $0x0  }
0x90: {  	s20 =	sadd.s32 $0x100, s5;
	[sflag:s14] =	ssyncadd.s32 $0xFFFFF000  }
0x91: {  	[tilespmem:s28], [sflag:$0x3] =	stream.indirect.gather [hbm4b:s0+s23], $0x80, s20, s23, $0xb8;
	[tilespmem:$0x1FD00] =	vst v63  }
0x92: {  	_ =	swait.ge [sflag:s17], $0x1000  }
0x93: {  	[sflag:s17] =	ssyncset.done $0x0  }
0x94: {  	s20 =	sadd.s32 $0x120, s5;
	[sflag:s17] =	ssyncadd.s32 $0xFFFFF000  }
0x95: {  	[tilespmem:s30], [sflag:$0x4] =	stream.indirect.gather [hbm4b:s0+s23], $0x80, s20, s23, $0xb8;
	[tilespmem:$0x1FD00] =	vst v63  }
0x96: {  	_ =	swait.ge [sflag:s15], $0x1000  }
0x97: {  	[sflag:s15] =	ssyncset.done $0x0  }
0x98: {  	s20 =	sadd.s32 $0x140, s5;
	[sflag:s15] =	ssyncadd.s32 $0xFFFFF000  }
0x99: {  	[tilespmem:s31], [sflag:$0x5] =	stream.indirect.gather [hbm4b:s0+s23], $0x80, s20, s23, $0xb8;
	[tilespmem:$0x1FD00] =	vst v63  }
.Ltmp3:
0x9a: {  	_ = 	snop;
	(pc) =	sbr.rel .LBB2_2-.Ltmp3, $4  }
0x9b: {  	_ =	swait.ge [sflag:s19], $0x1000  }
0x9c: {  	s16 =	sadd.s32 $0x300, s16;
	[sflag:s19] =	ssyncset.done $0x0  }
0x9d: {  	s3 =	sadd.s32 $0x300, s3;
	s5 =	sadd.s32 $0x160, s5;
	[sflag:s19] =	ssyncadd.s32 $0xFFFFF000  }
0x9e: {  	[tilespmem:s1], [sflag:$0x6] =	stream.indirect.gather [hbm4b:s0+s23], $0x80, s5, s23, $0xb8;
	[tilespmem:$0x1FD00] =	vst v63  }
.LBB2_4:
0x9f: {  	_ =	swait.ge [sflag:s13], $0x1000  }
0xa0: {  	[sflag:s13] =	ssyncset.done $0x0  }
0xa1: {  	[sflag:s13] =	ssyncadd.s32 $0xFFFFF000  }
0xa2: {  	_ =	swait.ge [sflag:s14], $0x1000  }
0xa3: {  	[sflag:s14] =	ssyncset.done $0x0  }
0xa4: {  	[sflag:s14] =	ssyncadd.s32 $0xFFFFF000  }
0xa5: {  	_ =	swait.ge [sflag:s17], $0x1000  }
0xa6: {  	[sflag:s17] =	ssyncset.done $0x0  }
0xa7: {  	[sflag:s17] =	ssyncadd.s32 $0xFFFFF000  }
0xa8: {  	_ =	swait.ge [sflag:s15], $0x1000  }
0xa9: {  	[sflag:s15] =	ssyncset.done $0x0  }
0xaa: {  	[sflag:s15] =	ssyncadd.s32 $0xFFFFF000  }
0xab: {  	_ =	swait.ge [sflag:s19], $0x1000  }
0xac: {  	s3 =	simm.s32 $0x0;
	s16 =	simm.s32 $0x80;
	[sflag:s19] =	ssyncset.done $0x0  }
0xad: {  	s20 =	simm.s32 $0x400;
	s5 =	rddreg [dreg:$0xc];
	[sflag:s19] =	ssyncadd.s32 $0xFFFFF000  }
0xae: {  	[tilespmem:s3], [sflag:$0xD] =	stream.strided.gather [hbm4b:s5+s16], $0x1380, s20, s16, $0x38;
	[tilespmem:$0x1FD00] =	vst v63  }
0xaf: {  	_ =	swait.ge [sflag:s18], $0x1380  }
0xb0: {  	[sflag:s18] =	ssyncset.done $0x0  }
0xb1: {  	s20 =	simm.s32 $0x1380;
	s5 =	rddreg [dreg:$0xd];
	[sflag:s18] =	ssyncadd.s32 $0xFFFFEC80  }
0xb2: {  	[tilespmem:s20], [sflag:$0xD] =	stream.linear.gather [hbm4b:s5+s3], $0x4E00, $0x38;
	[tilespmem:$0x1FD00] =	vst v63  }
0xb3: {  	_ =	swait.ge [sflag:s18], $0x4E00  }
0xb4: {  	[sflag:s18] =	ssyncset.done $0x0  }
0xb5: {  	[sflag:s18] =	ssyncadd.s32 $0xFFFFB200  }
0xb6: {  	[tilespmem:s24], [sflag:$0x1] =	stream.indirect.gather [hbm4b:s0+s23], $0x80, s3, s23, $0xb8;
	[tilespmem:$0x1FD00] =	vst v63  }
0xb7: {  	_ = 	snop  }
0xb8: {  	[tilespmem:s25], [sflag:$0x2] =	stream.indirect.gather [hbm4b:s0+s23], $0x80, s23, s23, $0xb8;
	[tilespmem:$0x1FD00] =	vst v63  }
0xb9: {  	s20 =	simm.s32 $0x40  }
0xba: {  	[tilespmem:s28], [sflag:$0x3] =	stream.indirect.gather [hbm4b:s0+s23], $0x80, s20, s23, $0xb8;
	[tilespmem:$0x1FD00] =	vst v63  }
0xbb: {  	s20 =	simm.s32 $0x60  }
0xbc: {  	[tilespmem:s30], [sflag:$0x4] =	stream.indirect.gather [hbm4b:s0+s23], $0x80, s20, s23, $0xb8;
	[tilespmem:$0x1FD00] =	vst v63  }
0xbd: {  	_ = 	snop  }
0xbe: {  	[tilespmem:s31], [sflag:$0x5] =	stream.indirect.gather [hbm4b:s0+s23], $0x80, s16, s23, $0xb8;
	[tilespmem:$0x1FD00] =	vst v63  }
0xbf: {  	s20 =	simm.s32 $0xA0;
	s16 =	simm.s32 $0x1600  }
0xc0: {  	[tilespmem:s1], [sflag:$0x6] =	stream.indirect.gather [hbm4b:s0+s23], $0x80, s20, s23, $0xb8;
	[tilespmem:$0x1FD00] =	vst v63  }
.LBB2_5:
0xc1: {  	_ =	swait.ge [sflag:s6], $0x1000  }
0xc2: {  	[sflag:s6] =	ssyncset.done $0x0  }
0xc3: {  	s5 =	sadd.s32 $0xFFFFFD80, s16;
	[sflag:s6] =	ssyncadd.s32 $0xFFFFF000  }
0xc4: {  	[spmem:s2] =	stream.indirect.scatter.add.f32 [tilespmem:s24], [sflag:$0x7], $0x80, s5, s23, $0xb8;
	[tilespmem:$0x1FD00] =	vst v63  }
0xc5: {  	_ =	swait.ge [sflag:s7], $0x1000  }
0xc6: {  	[sflag:s7] =	ssyncset.done $0x0  }
0xc7: {  	s20 =	sadd.s32 $0xFFFFFE00, s16;
	[sflag:s7] =	ssyncadd.s32 $0xFFFFF000  }
0xc8: {  	[spmem:s2] =	stream.indirect.scatter.add.f32 [tilespmem:s25], [sflag:$0x8], $0x80, s20, s23, $0xb8;
	[tilespmem:$0x1FD00] =	vst v63  }
0xc9: {  	_ =	swait.ge [sflag:s8], $0x1000  }
0xca: {  	[sflag:s8] =	ssyncset.done $0x0  }
0xcb: {  	s20 =	sadd.s32 $0xFFFFFE80, s16;
	[sflag:s8] =	ssyncadd.s32 $0xFFFFF000  }
0xcc: {  	[spmem:s2] =	stream.indirect.scatter.add.f32 [tilespmem:s28], [sflag:$0x9], $0x80, s20, s23, $0xb8;
	[tilespmem:$0x1FD00] =	vst v63  }
0xcd: {  	_ =	swait.ge [sflag:s9], $0x1000  }
0xce: {  	[sflag:s9] =	ssyncset.done $0x0  }
0xcf: {  	s20 =	sadd.s32 $0xFFFFFF00, s16;
	[sflag:s9] =	ssyncadd.s32 $0xFFFFF000  }
0xd0: {  	[spmem:s2] =	stream.indirect.scatter.add.f32 [tilespmem:s30], [sflag:$0xA], $0x80, s20, s23, $0xb8;
	[tilespmem:$0x1FD00] =	vst v63  }
0xd1: {  	_ =	swait.ge [sflag:s10], $0x1000  }
0xd2: {  	[sflag:s10] =	ssyncset.done $0x0  }
0xd3: {  	s20 =	sadd.s32 $0xFFFFFF80, s16;
	[sflag:s10] =	ssyncadd.s32 $0xFFFFF000  }
0xd4: {  	[spmem:s2] =	stream.indirect.scatter.add.f32 [tilespmem:s31], [sflag:$0xB], $0x80, s20, s23, $0xb8;
	[tilespmem:$0x1FD00] =	vst v63  }
0xd5: {  	_ =	swait.ge [sflag:s11], $0x1000  }
0xd6: {  	p1 =	seq.s32 s3, $0x4B00;
	[sflag:s11] =	ssyncset.done $0x0  }
.Ltmp4:
0xd7: {  	[sflag:s11] =	ssyncadd.s32 $0xFFFFF000;
	(pc) =	sbr.rel @p1 .LBB2_7-.Ltmp4, $4  }
0xd8: {  	[spmem:s2] =	stream.indirect.scatter.add.f32 [tilespmem:s1], [sflag:$0xC], $0x80, s16, s23, $0xb8;
	[tilespmem:$0x1FD00] =	vst v63  }
0xd9: {  	_ =	swait.ge [sflag:s12], $0x1000  }
0xda: {  	[sflag:s12] =	ssyncset.done $0x0  }
0xdb: {  	[sflag:s12] =	ssyncadd.s32 $0xFFFFF000  }
0xdc: {  	s5 =	sshra.s32 s3, $0x2  }
0xdd: {  	s20 =	sadd.s32 $0xC0, s5  }
0xde: {  	[tilespmem:s24], [sflag:$0x1] =	stream.indirect.gather [hbm4b:s0+s23], $0x80, s20, s23, $0xb8;
	[tilespmem:$0x1FD00] =	vst v63  }
0xdf: {  	_ =	swait.ge [sflag:s13], $0x1000  }
0xe0: {  	[sflag:s13] =	ssyncset.done $0x0  }
0xe1: {  	s20 =	sadd.s32 $0xE0, s5;
	[sflag:s13] =	ssyncadd.s32 $0xFFFFF000  }
0xe2: {  	[tilespmem:s25], [sflag:$0x2] =	stream.indirect.gather [hbm4b:s0+s23], $0x80, s20, s23, $0xb8;
	[tilespmem:$0x1FD00] =	vst v63  }
0xe3: {  	_ =	swait.ge [sflag:s14], $0x1000  }
0xe4: {  	[sflag:s14] =	ssyncset.done $0x0  }
0xe5: {  	s20 =	sadd.s32 $0x100, s5;
	[sflag:s14] =	ssyncadd.s32 $0xFFFFF000  }
0xe6: {  	[tilespmem:s28], [sflag:$0x3] =	stream.indirect.gather [hbm4b:s0+s23], $0x80, s20, s23, $0xb8;
	[tilespmem:$0x1FD00] =	vst v63  }
0xe7: {  	_ =	swait.ge [sflag:s17], $0x1000  }
0xe8: {  	[sflag:s17] =	ssyncset.done $0x0  }
0xe9: {  	s20 =	sadd.s32 $0x120, s5;
	[sflag:s17] =	ssyncadd.s32 $0xFFFFF000  }
0xea: {  	[tilespmem:s30], [sflag:$0x4] =	stream.indirect.gather [hbm4b:s0+s23], $0x80, s20, s23, $0xb8;
	[tilespmem:$0x1FD00] =	vst v63  }
0xeb: {  	_ =	swait.ge [sflag:s15], $0x1000  }
0xec: {  	[sflag:s15] =	ssyncset.done $0x0  }
0xed: {  	s20 =	sadd.s32 $0x140, s5;
	[sflag:s15] =	ssyncadd.s32 $0xFFFFF000  }
0xee: {  	[tilespmem:s31], [sflag:$0x5] =	stream.indirect.gather [hbm4b:s0+s23], $0x80, s20, s23, $0xb8;
	[tilespmem:$0x1FD00] =	vst v63  }
.Ltmp5:
0xef: {  	_ = 	snop;
	(pc) =	sbr.rel .LBB2_5-.Ltmp5, $4  }
0xf0: {  	_ =	swait.ge [sflag:s19], $0x1000  }
0xf1: {  	s3 =	sadd.s32 $0x300, s3;
	[sflag:s19] =	ssyncset.done $0x0  }
0xf2: {  	s16 =	sadd.s32 $0x300, s16;
	s5 =	sadd.s32 $0x160, s5;
	[sflag:s19] =	ssyncadd.s32 $0xFFFFF000  }
0xf3: {  	[tilespmem:s1], [sflag:$0x6] =	stream.indirect.gather [hbm4b:s0+s23], $0x80, s5, s23, $0xb8;
	[tilespmem:$0x1FD00] =	vst v63  }
.LBB2_8:
0xf4: {  	_ =	sfence.sel $0x180000  }
0xf5: {  	[bflag:$0x0] =	sbarrier.arrive $0xFFFF  }
0xf6: {  	_ =	strace $0x90000047  }
0xf7: {  	[bflag:$0x2] =	sbarrier.arrive $0xFFFF  }
0xf8: {  	s0 =	rddreg [dreg:$0x4]  }
0xf9: {  	s0 =	sadd.s32 @!p0 $0x100000, s0  }
0xfa: {  	[sflag:s0] =	ssyncadd.tile.s32 @!p0 $0x1;
	_ =	shalt  }
.Lfunc_end2:
_tile_overlayer_lowered:
.L_overlay_start_2:
0xfb: {  	(tag) =	ssettag $0x2  }
0xfc: {  	s0 =	rddreg [dreg:$0x0];
	s2 =	stileid.u32  }
0xfd: {  	s1 =	rddreg [dreg:$0x1];
	p0 =	sne.s32 s2, $0x0  }
0xfe: {  	s3 =	rddreg [dreg:$0x2];
	[bflag:$0x3] =	sbarrier.arrive $0xFFFF;
	s2 =	simm.s32 @!p0 $0x1C0D  }
0xff: {  	[timem:s3], [sflag:s2] =	dma.local @!p0 [hbm:s0], s1  }
0x100: {  	s0 =	simm.s32 @!p0 $0xD  }
0x101: {  	_ =	swait.ge @!p0 [sflag:s0], s1  }
0x102: {  	s1 =	ssub.s32 @!p0 $0x0, s1;
	[sflag:s0] =	ssyncset.done @!p0 $0x0  }
0x103: {  	[sflag:s0] =	ssyncadd.s32 @!p0 s1  }
0x104: {  	[bflag:$0x3] =	sbarrier.arrive $0xFFFF  }
0x105: {  	_ =	shalt  }

</sc_bundles>
